<compile_context>
chip_gen: v7x
topology: tpu7x:2x2x1
jax: 0.10.2.dev20260603
libtpu: 0.0.44.dev20260713+nightly
codegen_flags: <defaults>
</compile_context>

<pallas_src>
import functools

import jax
import jax.numpy as jnp
from jax import lax
from jax.experimental import pallas as pl
from jax.experimental.pallas import tpu as pltpu
from jax.experimental.pallas import tpu_sc as plsc

EPS = 1e-12
NEG = float("-inf")
IMAX = 2**31 - 1
BLK = 16384


def _score_kernel(ctx_row_ref, ctx_col_ref, lib_ref, selt_ref,
                  vals_ref, idxs_ref, wts_ref, sum_ref, mx_ref, thr_ref,
                  *, m_total):
    i = pl.program_id(0)
    b = lib_ref.shape[1]

    @pl.when(i == 0)
    def _init():
        vals_ref[...] = jnp.full(vals_ref.shape, NEG, jnp.float32)
        idxs_ref[...] = jnp.zeros(idxs_ref.shape, jnp.int32)
        wts_ref[...] = jnp.zeros(wts_ref.shape, jnp.float32)
        sum_ref[0] = jnp.float32(0.0)
        mx_ref[0] = jnp.float32(NEG)
        thr_ref[0] = jnp.float32(NEG)

    ctx_row = ctx_row_ref[...]
    ctx_col = ctx_col_ref[...]
    cn = jnp.sum(ctx_row * ctx_row)
    ctxn_col = ctx_col / jnp.maximum(jnp.sqrt(cn), EPS)

    lib = lib_ref[...]
    norm2 = jnp.sum(lib * lib, axis=0, keepdims=True)
    libn = lib / jnp.maximum(jnp.sqrt(norm2), EPS)
    libn_b = libn.astype(jnp.bfloat16).astype(jnp.float32)
    ctxn_b = ctxn_col.astype(jnp.bfloat16).astype(jnp.float32)
    structural = jnp.sum(libn_b * ctxn_b, axis=0, keepdims=True)

    selt_b = selt_ref[...].astype(jnp.bfloat16).astype(jnp.float32)
    ctx_b = ctx_col.astype(jnp.bfloat16).astype(jnp.float32)
    learned = jnp.sum(selt_b * ctx_b, axis=0, keepdims=True)

    scores = 0.5 * learned + 0.5 * structural
    lane = lax.broadcasted_iota(jnp.int32, scores.shape, 1)
    gidx = i * b + lane
    scores = jnp.where(gidx < m_total, scores, NEG)

    bmax = jnp.max(scores)
    m_old = mx_ref[0]
    m_new = jnp.maximum(m_old, bmax)
    mx_ref[0] = m_new
    s_new = sum_ref[0] * jnp.exp(m_old - m_new) + jnp.sum(
        jnp.exp(scores - m_new))
    sum_ref[0] = s_new

    lane_o = lax.broadcasted_iota(jnp.int32, vals_ref.shape, 1)

    @pl.when(bmax > thr_ref[0])
    def _update_top3():
        bv, bi = [], []
        s = scores
        for _ in range(3):
            v = jnp.max(s)
            ix = jnp.min(jnp.where(s == v, gidx, IMAX))
            bv.append(v)
            bi.append(ix)
            s = jnp.where(gidx == ix, NEG, s)
        cv = vals_ref[...]
        ci = idxs_ref[...]
        for k in range(3):
            cv = jnp.where(lane_o == 3 + k, bv[k], cv)
            ci = jnp.where(lane_o == 3 + k, bi[k], ci)
        nv = jnp.full(vals_ref.shape, NEG, jnp.float32)
        ni = jnp.zeros(idxs_ref.shape, jnp.int32)
        third = None
        for k in range(3):
            mv = jnp.max(cv)
            mi = jnp.min(jnp.where(cv == mv, ci, IMAX))
            third = mv
            nv = jnp.where(lane_o == k, mv, nv)
            ni = jnp.where(lane_o == k, mi, ni)
            cv = jnp.where((cv == mv) & (ci == mi), NEG, cv)
        vals_ref[...] = nv
        idxs_ref[...] = ni
        thr_ref[0] = third

    @pl.when(i == pl.num_programs(0) - 1)
    def _weights():
        nv3 = vals_ref[...]
        wts_ref[...] = jnp.where(lane_o < 3, jnp.exp(nv3 - m_new) / s_new,
                                 0.0)


def _top3_scores(ctx_row, library_matrix, selt):
    n, m = library_matrix.shape
    grid = pl.cdiv(m, BLK)
    vals, idxs, wts = pl.pallas_call(
        functools.partial(_score_kernel, m_total=m),
        grid=(grid,),
        in_specs=[
            pl.BlockSpec((1, n), lambda i: (0, 0)),
            pl.BlockSpec((n, 1), lambda i: (0, 0)),
            pl.BlockSpec((n, BLK), lambda i: (0, i)),
            pl.BlockSpec((n, BLK), lambda i: (0, i)),
        ],
        out_specs=[
            pl.BlockSpec((1, 128), lambda i: (0, 0)),
            pl.BlockSpec((1, 128), lambda i: (0, 0)),
            pl.BlockSpec((1, 128), lambda i: (0, 0)),
        ],
        out_shape=[
            jax.ShapeDtypeStruct((1, 128), jnp.float32),
            jax.ShapeDtypeStruct((1, 128), jnp.int32),
            jax.ShapeDtypeStruct((1, 128), jnp.float32),
        ],
        scratch_shapes=[pltpu.SMEM((1,), jnp.float32),
                        pltpu.SMEM((1,), jnp.float32),
                        pltpu.SMEM((1,), jnp.float32)],
        compiler_params=pltpu.CompilerParams(
            dimension_semantics=("arbitrary",)),
    )(ctx_row, ctx_row.reshape(n, 1), library_matrix, selt)
    return vals, idxs, wts


def _bf16_rtne(v):
    b = lax.bitcast_convert_type(v, jnp.int32)
    lsb = lax.shift_right_logical(b, 16) & 1
    b = (b + 0x7FFF + lsb) & jnp.int32(-65536)
    return lax.bitcast_convert_type(b, jnp.float32)


def _make_compose(n, m):
    mesh = plsc.VectorSubcoreMesh(core_axis_name="c", subcore_axis_name="s")
    nvec = n // 16

    @functools.partial(
        pl.kernel,
        mesh=mesh,
        out_type=jax.ShapeDtypeStruct((n,), jnp.float32),
        scratch_types=[
            pltpu.VMEM((16,), jnp.float32),
            pltpu.VMEM((16,), jnp.int32),
            pltpu.VMEM((3 * n,), jnp.int32),
            pltpu.VMEM((3 * n,), jnp.float32),
            pltpu.VMEM((n,), jnp.float32),
            pltpu.SemaphoreType.DMA,
            pltpu.SemaphoreType.DMA,
        ],
    )
    def compose(wts_hbm, idxs_hbm, libflat_hbm, out_hbm,
                wts_v, idxs_v, gidx_v, cols_v, acc_v, sem_in, sem_g):
        cid = lax.axis_index("c")
        sid = lax.axis_index("s")

        @pl.when(jnp.logical_and(cid == 0, sid == 0))
        def _work():
            pltpu.async_copy(wts_hbm, wts_v, sem_in).wait()
            pltpu.async_copy(idxs_hbm, idxs_v, sem_in).wait()
            rofs = lax.broadcasted_iota(jnp.int32, (16,), 0) * jnp.int32(m)
            idx16 = idxs_v[...]
            for k in range(3):
                col = idx16[k]
                for j in range(nvec):
                    gidx_v[pl.ds(k * n + j * 16, 16)] = (
                        rofs + (col + jnp.int32(j * 16 * m)))
            pltpu.async_copy(libflat_hbm.at[gidx_v], cols_v, sem_g).wait()
            w = _bf16_rtne(wts_v[...])
            for j in range(nvec):
                acc = (w[0] * _bf16_rtne(cols_v[pl.ds(0 * n + j * 16, 16)])
                       + w[1] * _bf16_rtne(cols_v[pl.ds(1 * n + j * 16, 16)])
                       + w[2] * _bf16_rtne(cols_v[pl.ds(2 * n + j * 16, 16)]))
                acc_v[pl.ds(j * 16, 16)] = acc
            sq = jnp.zeros((16,), jnp.float32)
            for j in range(nvec):
                a = acc_v[pl.ds(j * 16, 16)]
                sq = sq + a * a
            lanes = lax.broadcasted_iota(jnp.int32, (16,), 0)
            gd = lax.GatherDimensionNumbers(
                offset_dims=(), collapsed_slice_dims=(0,),
                start_index_map=(0,))
            for sh in (8, 4, 2, 1):
                perm = (lanes ^ sh).reshape(16, 1)
                sq = sq + lax.gather(
                    sq, perm, gd, (1,),
                    mode=lax.GatherScatterMode.PROMISE_IN_BOUNDS)
            x = jnp.maximum(sq, jnp.float32(1e-24))
            xb = lax.bitcast_convert_type(x, jnp.int32)
            y = lax.bitcast_convert_type(
                jnp.int32(0x5F3759DF) - lax.shift_right_arithmetic(
                    xb, jnp.int32(1)), jnp.float32)
            for _ in range(4):
                y = y * (1.5 - 0.5 * x * y * y)
            for j in range(nvec):
                acc_v[pl.ds(j * 16, 16)] = acc_v[pl.ds(j * 16, 16)] * y
            pltpu.async_copy(acc_v, out_hbm, sem_in).wait()

    return compose


def kernel(context, library_matrix, selection_weights):
    n, m = library_matrix.shape
    ctx_row = context.reshape(1, n)
    selt = selection_weights.T
    vals, idxs, wts = _top3_scores(ctx_row, library_matrix, selt)
    wts16 = wts.reshape(128)[:16]
    idxs16 = idxs.reshape(128)[:16]
    libflat = library_matrix.reshape(n * m)
    composed = _make_compose(n, m)(wts16, idxs16, libflat)
    return composed

# --- scband reference (transcript-rebuilt; emitter-appended) ---
"""Pipeline reference for scband-niche-library-68204080660976 (READ-ONLY COPY).

The authoritative reference and input builder live on the scoring server;
editing this copy changes nothing except your own understanding.
"""

import jax, jax.numpy as jnp
import numpy as np

N = 32
M = 1000000
TOP_K = 3
EPS = 1e-12

def setup_inputs(seed: int = 0) -> dict:
    key = jax.random.key(seed)
    k1, k2, k3 = jax.random.split(key, 3)
    context = jax.random.normal(k1, (N,), dtype=jnp.float32)
    # library_matrix: columns are unit-normalized niche vectors (as built by add_niche)
    lib = jax.random.normal(k2, (N, M), dtype=jnp.float32)
    lib = lib / jnp.maximum(jnp.linalg.norm(lib, axis=0, keepdims=True), EPS)
    # selection_weights: xavier-like init, one row per niche
    sel = jax.random.normal(k3, (M, N), dtype=jnp.float32) * (1.0 / np.sqrt(N))
    return {"context": context, "library_matrix": lib, "selection_weights": sel}

def reference(context, library_matrix, selection_weights):
    # --- select(): learned affinity + structural cosine match ---
    learned_scores = selection_weights @ context                       # (M,)
    lib_norm = library_matrix / jnp.maximum(
        jnp.linalg.norm(library_matrix, axis=0, keepdims=True), EPS)   # (N, M)
    ctx_norm = context / jnp.maximum(jnp.linalg.norm(context), EPS)    # (N,)
    structural_scores = lib_norm.T @ ctx_norm                          # (M,)
    scores = 0.5 * learned_scores + 0.5 * structural_scores
    scores = jax.nn.softmax(scores, axis=0)                            # (M,)
    # --- compose(): top-k retrieval and weighted combination ---
    k = min(TOP_K, M)
    top_k_scores, top_k_idx = jax.lax.top_k(scores, k)                 # (k,), (k,)
    vecs = jnp.take(library_matrix, top_k_idx, axis=1)                 # (N, k) gather
    composed = vecs @ top_k_scores                                     # (N,)
    composed = composed / jnp.maximum(jnp.linalg.norm(composed), EPS)
    return composed

if False:  # reference __main__ guard neutralized (emitter)
    inp = setup_inputs()
    out = reference(**inp)
    print(out.shape, out.dtype)

if __name__ == "__main__":
    import jax
    _d = setup_inputs()
    print(jax.jit(kernel)(*tuple(_d.values())))

</pallas_src>

<mosaic_0001>
#map = affine_map<(d0, d1) -> (0)>
module attributes {stable_mosaic.version = 14 : i64} {
  func.func @compose(%arg0: i32, %arg1: i32, %arg2: memref<16xf32, #tpu.memory_space<hbm>>, %arg3: memref<16xi32, #tpu.memory_space<hbm>>, %arg4: memref<32000000xf32, #tpu.memory_space<hbm>>, %arg5: memref<32xf32, #tpu.memory_space<hbm>>, %arg6: memref<16xf32, #tpu.memory_space<vmem>>, %arg7: memref<16xi32, #tpu.memory_space<vmem>>, %arg8: memref<96xi32, #tpu.memory_space<vmem>>, %arg9: memref<96xf32, #tpu.memory_space<vmem>>, %arg10: memref<32xf32, #tpu.memory_space<vmem>>, %arg11: memref<!tpu.dma_semaphore, #tpu.memory_space<semaphore_mem>>, %arg12: memref<!tpu.dma_semaphore, #tpu.memory_space<semaphore_mem>>) attributes {dimension_semantics = [#tpu.dimension_semantics<core_parallel>, #tpu.dimension_semantics<subcore_parallel>], iteration_bounds = array<i64: 2, 16>, scalar_prefetch = 0 : i64, scratch_operands = 7 : i64, tpu.core_type = #tpu.core_type<sc_vector_subcore>, window_params = [{transform_indices = #map}, {transform_indices = #map}, {transform_indices = #map}, {transform_indices = #map}]} {
    %eq3A = arith.constant 0 : i32
    %eq3A_0 = arith.cmpi eq, %arg0, %eq3A : i32
    %eq3A_1 = arith.constant 0 : i32
    %eq3A_2 = arith.cmpi eq, %arg1, %eq3A_1 : i32
    %and3A = arith.andi %eq3A_0, %eq3A_2 : i1
    %convert_element_type3A = arith.extui %and3A : i1 to i32
    %cond3A = arith.constant 0 : i32
    %cond3A_3 = arith.cmpi ne, %convert_element_type3A, %cond3A : i32
    scf.if %cond3A_3 {
      tpu.enqueue_dma source(%arg2 : memref<16xf32, #tpu.memory_space<hbm>>) target(%arg6 : memref<16xf32, #tpu.memory_space<vmem>>) target_semaphore(%arg11 : memref<!tpu.dma_semaphore, #tpu.memory_space<semaphore_mem>>)
      tpu.wait_dma2 semaphore(%arg11 : memref<!tpu.dma_semaphore, #tpu.memory_space<semaphore_mem>>) src(%arg2 : memref<16xf32, #tpu.memory_space<hbm>>) dst(%arg6 : memref<16xf32, #tpu.memory_space<vmem>>)
      tpu.enqueue_dma source(%arg3 : memref<16xi32, #tpu.memory_space<hbm>>) target(%arg7 : memref<16xi32, #tpu.memory_space<vmem>>) target_semaphore(%arg11 : memref<!tpu.dma_semaphore, #tpu.memory_space<semaphore_mem>>)
      tpu.wait_dma2 semaphore(%arg11 : memref<!tpu.dma_semaphore, #tpu.memory_space<semaphore_mem>>) src(%arg3 : memref<16xi32, #tpu.memory_space<hbm>>) dst(%arg7 : memref<16xi32, #tpu.memory_space<vmem>>)
      %iota3A = tpu.iota {dimensions = array<i32: 0>} : vector<16xi32>
      %mul3A = arith.constant 1000000 : i32
      %mul3A_4 = vector.broadcast %mul3A : i32 to vector<16xi32>
      %mul3A_5 = arith.muli %iota3A, %mul3A_4 : vector<16xi32>
      %get3A = arith.constant 0 : index
      %get3A_6 = tpu.vector_load %arg7[%get3A] {strides = array<i32>} : memref<16xi32, #tpu.memory_space<vmem>>, vector<16xi32>,
      %get3A_7 = vector.shape_cast %get3A_6 : vector<16xi32> to vector<16xi32>
      %slice3A = vector.extract_strided_slice %get3A_7 {offsets = [0], sizes = [1], strides = [1]} : vector<16xi32> to vector<1xi32>
      %squeeze3A = vector.extract %slice3A[0] : i32 from vector<1xi32>
      %add3A = arith.constant 0 : i32
      %add3A_8 = arith.addi %squeeze3A, %add3A : i32
      %add3A_9 = vector.broadcast %add3A_8 : i32 to vector<16xi32>
      %add3A_10 = arith.addi %mul3A_5, %add3A_9 : vector<16xi32>
      %swap3A = arith.constant 0 : index
      %swap3A_11 = tpu.vector_load %arg8[%swap3A] {strides = array<i32>} : memref<96xi32, #tpu.memory_space<vmem>>, vector<16xi32>,
      %swap3A_12 = vector.shape_cast %swap3A_11 : vector<16xi32> to vector<16xi32>
      %swap3A_13 = vector.shape_cast %add3A_10 : vector<16xi32> to vector<16xi32>
      tpu.vector_store %arg8[%swap3A], %swap3A_13 {strides = array<i32>} : memref<96xi32, #tpu.memory_space<vmem>>, vector<16xi32>,
      %add3A_14 = arith.constant 16000000 : i32
      %add3A_15 = arith.addi %squeeze3A, %add3A_14 : i32
      %add3A_16 = vector.broadcast %add3A_15 : i32 to vector<16xi32>
      %add3A_17 = arith.addi %mul3A_5, %add3A_16 : vector<16xi32>
      %swap3A_18 = arith.constant 16 : index
      %swap3A_19 = tpu.vector_load %arg8[%swap3A_18] {strides = array<i32>} : memref<96xi32, #tpu.memory_space<vmem>>, vector<16xi32>,
      %swap3A_20 = vector.shape_cast %swap3A_19 : vector<16xi32> to vector<16xi32>
      %swap3A_21 = vector.shape_cast %add3A_17 : vector<16xi32> to vector<16xi32>
      tpu.vector_store %arg8[%swap3A_18], %swap3A_21 {strides = array<i32>} : memref<96xi32, #tpu.memory_space<vmem>>, vector<16xi32>,
      %slice3A_22 = vector.extract_strided_slice %get3A_7 {offsets = [1], sizes = [1], strides = [1]} : vector<16xi32> to vector<1xi32>
      %squeeze3A_23 = vector.extract %slice3A_22[0] : i32 from vector<1xi32>
      %add3A_24 = arith.constant 0 : i32
      %add3A_25 = arith.addi %squeeze3A_23, %add3A_24 : i32
      %add3A_26 = vector.broadcast %add3A_25 : i32 to vector<16xi32>
      %add3A_27 = arith.addi %mul3A_5, %add3A_26 : vector<16xi32>
      %swap3A_28 = arith.constant 32 : index
      %swap3A_29 = tpu.vector_load %arg8[%swap3A_28] {strides = array<i32>} : memref<96xi32, #tpu.memory_space<vmem>>, vector<16xi32>,
      %swap3A_30 = vector.shape_cast %swap3A_29 : vector<16xi32> to vector<16xi32>
      %swap3A_31 = vector.shape_cast %add3A_27 : vector<16xi32> to vector<16xi32>
      tpu.vector_store %arg8[%swap3A_28], %swap3A_31 {strides = array<i32>} : memref<96xi32, #tpu.memory_space<vmem>>, vector<16xi32>,
      %add3A_32 = arith.constant 16000000 : i32
      %add3A_33 = arith.addi %squeeze3A_23, %add3A_32 : i32
      %add3A_34 = vector.broadcast %add3A_33 : i32 to vector<16xi32>
      %add3A_35 = arith.addi %mul3A_5, %add3A_34 : vector<16xi32>
      %swap3A_36 = arith.constant 48 : index
      %swap3A_37 = tpu.vector_load %arg8[%swap3A_36] {strides = array<i32>} : memref<96xi32, #tpu.memory_space<vmem>>, vector<16xi32>,
      %swap3A_38 = vector.shape_cast %swap3A_37 : vector<16xi32> to vector<16xi32>
      %swap3A_39 = vector.shape_cast %add3A_35 : vector<16xi32> to vector<16xi32>
      tpu.vector_store %arg8[%swap3A_36], %swap3A_39 {strides = array<i32>} : memref<96xi32, #tpu.memory_space<vmem>>, vector<16xi32>,
      %slice3A_40 = vector.extract_strided_slice %get3A_7 {offsets = [2], sizes = [1], strides = [1]} : vector<16xi32> to vector<1xi32>
      %squeeze3A_41 = vector.extract %slice3A_40[0] : i32 from vector<1xi32>
      %add3A_42 = arith.constant 0 : i32
      %add3A_43 = arith.addi %squeeze3A_41, %add3A_42 : i32
      %add3A_44 = vector.broadcast %add3A_43 : i32 to vector<16xi32>
      %add3A_45 = arith.addi %mul3A_5, %add3A_44 : vector<16xi32>
      %swap3A_46 = arith.constant 64 : index
      %swap3A_47 = tpu.vector_load %arg8[%swap3A_46] {strides = array<i32>} : memref<96xi32, #tpu.memory_space<vmem>>, vector<16xi32>,
      %swap3A_48 = vector.shape_cast %swap3A_47 : vector<16xi32> to vector<16xi32>
      %swap3A_49 = vector.shape_cast %add3A_45 : vector<16xi32> to vector<16xi32>
      tpu.vector_store %arg8[%swap3A_46], %swap3A_49 {strides = array<i32>} : memref<96xi32, #tpu.memory_space<vmem>>, vector<16xi32>,
      %add3A_50 = arith.constant 16000000 : i32
      %add3A_51 = arith.addi %squeeze3A_41, %add3A_50 : i32
      %add3A_52 = vector.broadcast %add3A_51 : i32 to vector<16xi32>
      %add3A_53 = arith.addi %mul3A_5, %add3A_52 : vector<16xi32>
      %swap3A_54 = arith.constant 80 : index
      %swap3A_55 = tpu.vector_load %arg8[%swap3A_54] {strides = array<i32>} : memref<96xi32, #tpu.memory_space<vmem>>, vector<16xi32>,
      %swap3A_56 = vector.shape_cast %swap3A_55 : vector<16xi32> to vector<16xi32>
      %swap3A_57 = vector.shape_cast %add3A_53 : vector<16xi32> to vector<16xi32>
      tpu.vector_store %arg8[%swap3A_54], %swap3A_57 {strides = array<i32>} : memref<96xi32, #tpu.memory_space<vmem>>, vector<16xi32>,
      %dma_start3A = arith.constant 0 : i32
      %dma_start3A_58 = tpu.memref_slice %arg4[%dma_start3A] : memref<32000000xf32, #tpu.memory_space<hbm>> -> memref<32000000xf32, #tpu.memory_space<hbm>>
      tpu.enqueue_indirect_dma source(%dma_start3A_58 : memref<32000000xf32, #tpu.memory_space<hbm>>) target(%arg9 : memref<96xf32, #tpu.memory_space<vmem>>) offsets(%arg8 : memref<96xi32, #tpu.memory_space<vmem>>) semaphore(%arg12 : memref<!tpu.dma_semaphore, #tpu.memory_space<semaphore_mem>>)
      %dma_wait3A = arith.constant 0 : i32
      %dma_wait3A_59 = tpu.memref_slice %arg4[%dma_wait3A] : memref<32000000xf32, #tpu.memory_space<hbm>> -> memref<32000000xf32, #tpu.memory_space<hbm>>
      tpu.wait_indirect_dma semaphore(%arg12 : memref<!tpu.dma_semaphore, #tpu.memory_space<semaphore_mem>>) src(%dma_wait3A_59 : memref<32000000xf32, #tpu.memory_space<hbm>>) dst(%arg9 : memref<96xf32, #tpu.memory_space<vmem>>)
      %get3A_60 = arith.constant 0 : index
      %get3A_61 = tpu.vector_load %arg6[%get3A_60] {strides = array<i32>} : memref<16xf32, #tpu.memory_space<vmem>>, vector<16xf32>,
      %get3A_62 = vector.shape_cast %get3A_61 : vector<16xf32> to vector<16xf32>
      %bitcast_convert_type3A = tpu.bitcast %get3A_62 : vector<16xf32> -> vector<16xi32>
      %shift_right_logical3A = arith.constant 16 : i32
      %shift_right_logical3A_63 = vector.broadcast %shift_right_logical3A : i32 to vector<16xi32>
      %shift_right_logical3A_64 = arith.shrui %bitcast_convert_type3A, %shift_right_logical3A_63 : vector<16xi32>
      %and3A_65 = arith.constant 1 : i32
      %and3A_66 = vector.broadcast %and3A_65 : i32 to vector<16xi32>
      %and3A_67 = arith.andi %shift_right_logical3A_64, %and3A_66 : vector<16xi32>
      %add3A_68 = arith.constant 32767 : i32
      %add3A_69 = vector.broadcast %add3A_68 : i32 to vector<16xi32>
      %add3A_70 = arith.addi %bitcast_convert_type3A, %add3A_69 : vector<16xi32>
      %add3A_71 = arith.addi %add3A_70, %and3A_67 : vector<16xi32>
      %and3A_72 = arith.constant -65536 : i32
      %and3A_73 = vector.broadcast %and3A_72 : i32 to vector<16xi32>
      %and3A_74 = arith.andi %add3A_71, %and3A_73 : vector<16xi32>
      %bitcast_convert_type3A_75 = tpu.bitcast %and3A_74 : vector<16xi32> -> vector<16xf32>
      %slice3A_76 = vector.extract_strided_slice %bitcast_convert_type3A_75 {offsets = [0], sizes = [1], strides = [1]} : vector<16xf32> to vector<1xf32>
      %squeeze3A_77 = vector.extract %slice3A_76[0] : f32 from vector<1xf32>
      %get3A_78 = arith.constant 0 : index
      %get3A_79 = tpu.vector_load %arg9[%get3A_78] {strides = array<i32>} : memref<96xf32, #tpu.memory_space<vmem>>, vector<16xf32>,
      %get3A_80 = vector.shape_cast %get3A_79 : vector<16xf32> to vector<16xf32>
      %bitcast_convert_type3A_81 = tpu.bitcast %get3A_80 : vector<16xf32> -> vector<16xi32>
      %shift_right_logical3A_82 = arith.constant 16 : i32
      %shift_right_logical3A_83 = vector.broadcast %shift_right_logical3A_82 : i32 to vector<16xi32>
      %shift_right_logical3A_84 = arith.shrui %bitcast_convert_type3A_81, %shift_right_logical3A_83 : vector<16xi32>
      %and3A_85 = arith.constant 1 : i32
      %and3A_86 = vector.broadcast %and3A_85 : i32 to vector<16xi32>
      %and3A_87 = arith.andi %shift_right_logical3A_84, %and3A_86 : vector<16xi32>
      %add3A_88 = arith.constant 32767 : i32
      %add3A_89 = vector.broadcast %add3A_88 : i32 to vector<16xi32>
      %add3A_90 = arith.addi %bitcast_convert_type3A_81, %add3A_89 : vector<16xi32>
      %add3A_91 = arith.addi %add3A_90, %and3A_87 : vector<16xi32>
      %and3A_92 = arith.constant -65536 : i32
      %and3A_93 = vector.broadcast %and3A_92 : i32 to vector<16xi32>
      %and3A_94 = arith.andi %add3A_91, %and3A_93 : vector<16xi32>
      %bitcast_convert_type3A_95 = tpu.bitcast %and3A_94 : vector<16xi32> -> vector<16xf32>
      %mul3A_96 = vector.broadcast %squeeze3A_77 : f32 to vector<16xf32>
      %mul3A_97 = arith.mulf %mul3A_96, %bitcast_convert_type3A_95 : vector<16xf32>
      %slice3A_98 = vector.extract_strided_slice %bitcast_convert_type3A_75 {offsets = [1], sizes = [1], strides = [1]} : vector<16xf32> to vector<1xf32>
      %squeeze3A_99 = vector.extract %slice3A_98[0] : f32 from vector<1xf32>
      %get3A_100 = arith.constant 32 : index
      %get3A_101 = tpu.vector_load %arg9[%get3A_100] {strides = array<i32>} : memref<96xf32, #tpu.memory_space<vmem>>, vector<16xf32>,
      %get3A_102 = vector.shape_cast %get3A_101 : vector<16xf32> to vector<16xf32>
      %bitcast_convert_type3A_103 = tpu.bitcast %get3A_102 : vector<16xf32> -> vector<16xi32>
      %shift_right_logical3A_104 = arith.constant 16 : i32
      %shift_right_logical3A_105 = vector.broadcast %shift_right_logical3A_104 : i32 to vector<16xi32>
      %shift_right_logical3A_106 = arith.shrui %bitcast_convert_type3A_103, %shift_right_logical3A_105 : vector<16xi32>
      %and3A_107 = arith.constant 1 : i32
      %and3A_108 = vector.broadcast %and3A_107 : i32 to vector<16xi32>
      %and3A_109 = arith.andi %shift_right_logical3A_106, %and3A_108 : vector<16xi32>
      %add3A_110 = arith.constant 32767 : i32
      %add3A_111 = vector.broadcast %add3A_110 : i32 to vector<16xi32>
      %add3A_112 = arith.addi %bitcast_convert_type3A_103, %add3A_111 : vector<16xi32>
      %add3A_113 = arith.addi %add3A_112, %and3A_109 : vector<16xi32>
      %and3A_114 = arith.constant -65536 : i32
      %and3A_115 = vector.broadcast %and3A_114 : i32 to vector<16xi32>
      %and3A_116 = arith.andi %add3A_113, %and3A_115 : vector<16xi32>
      %bitcast_convert_type3A_117 = tpu.bitcast %and3A_116 : vector<16xi32> -> vector<16xf32>
      %mul3A_118 = vector.broadcast %squeeze3A_99 : f32 to vector<16xf32>
      %mul3A_119 = arith.mulf %mul3A_118, %bitcast_convert_type3A_117 : vector<16xf32>
      %add3A_120 = arith.addf %mul3A_97, %mul3A_119 : vector<16xf32>
      %slice3A_121 = vector.extract_strided_slice %bitcast_convert_type3A_75 {offsets = [2], sizes = [1], strides = [1]} : vector<16xf32> to vector<1xf32>
      %squeeze3A_122 = vector.extract %slice3A_121[0] : f32 from vector<1xf32>
      %get3A_123 = arith.constant 64 : index
      %get3A_124 = tpu.vector_load %arg9[%get3A_123] {strides = array<i32>} : memref<96xf32, #tpu.memory_space<vmem>>, vector<16xf32>,
      %get3A_125 = vector.shape_cast %get3A_124 : vector<16xf32> to vector<16xf32>
      %bitcast_convert_type3A_126 = tpu.bitcast %get3A_125 : vector<16xf32> -> vector<16xi32>
      %shift_right_logical3A_127 = arith.constant 16 : i32
      %shift_right_logical3A_128 = vector.broadcast %shift_right_logical3A_127 : i32 to vector<16xi32>
      %shift_right_logical3A_129 = arith.shrui %bitcast_convert_type3A_126, %shift_right_logical3A_128 : vector<16xi32>
      %and3A_130 = arith.constant 1 : i32
      %and3A_131 = vector.broadcast %and3A_130 : i32 to vector<16xi32>
      %and3A_132 = arith.andi %shift_right_logical3A_129, %and3A_131 : vector<16xi32>
      %add3A_133 = arith.constant 32767 : i32
      %add3A_134 = vector.broadcast %add3A_133 : i32 to vector<16xi32>
      %add3A_135 = arith.addi %bitcast_convert_type3A_126, %add3A_134 : vector<16xi32>
      %add3A_136 = arith.addi %add3A_135, %and3A_132 : vector<16xi32>
      %and3A_137 = arith.constant -65536 : i32
      %and3A_138 = vector.broadcast %and3A_137 : i32 to vector<16xi32>
      %and3A_139 = arith.andi %add3A_136, %and3A_138 : vector<16xi32>
      %bitcast_convert_type3A_140 = tpu.bitcast %and3A_139 : vector<16xi32> -> vector<16xf32>
      %mul3A_141 = vector.broadcast %squeeze3A_122 : f32 to vector<16xf32>
      %mul3A_142 = arith.mulf %mul3A_141, %bitcast_convert_type3A_140 : vector<16xf32>
      %add3A_143 = arith.addf %add3A_120, %mul3A_142 : vector<16xf32>
      %swap3A_144 = arith.constant 0 : index
      %swap3A_145 = tpu.vector_load %arg10[%swap3A_144] {strides = array<i32>} : memref<32xf32, #tpu.memory_space<vmem>>, vector<16xf32>,
      %swap3A_146 = vector.shape_cast %swap3A_145 : vector<16xf32> to vector<16xf32>
      %swap3A_147 = vector.shape_cast %add3A_143 : vector<16xf32> to vector<16xf32>
      tpu.vector_store %arg10[%swap3A_144], %swap3A_147 {strides = array<i32>} : memref<32xf32, #tpu.memory_space<vmem>>, vector<16xf32>,
      %slice3A_148 = vector.extract_strided_slice %bitcast_convert_type3A_75 {offsets = [0], sizes = [1], strides = [1]} : vector<16xf32> to vector<1xf32>
      %squeeze3A_149 = vector.extract %slice3A_148[0] : f32 from vector<1xf32>
      %get3A_150 = arith.constant 16 : index
      %get3A_151 = tpu.vector_load %arg9[%get3A_150] {strides = array<i32>} : memref<96xf32, #tpu.memory_space<vmem>>, vector<16xf32>,
      %get3A_152 = vector.shape_cast %get3A_151 : vector<16xf32> to vector<16xf32>
      %bitcast_convert_type3A_153 = tpu.bitcast %get3A_152 : vector<16xf32> -> vector<16xi32>
      %shift_right_logical3A_154 = arith.constant 16 : i32
      %shift_right_logical3A_155 = vector.broadcast %shift_right_logical3A_154 : i32 to vector<16xi32>
      %shift_right_logical3A_156 = arith.shrui %bitcast_convert_type3A_153, %shift_right_logical3A_155 : vector<16xi32>
      %and3A_157 = arith.constant 1 : i32
      %and3A_158 = vector.broadcast %and3A_157 : i32 to vector<16xi32>
      %and3A_159 = arith.andi %shift_right_logical3A_156, %and3A_158 : vector<16xi32>
      %add3A_160 = arith.constant 32767 : i32
      %add3A_161 = vector.broadcast %add3A_160 : i32 to vector<16xi32>
      %add3A_162 = arith.addi %bitcast_convert_type3A_153, %add3A_161 : vector<16xi32>
      %add3A_163 = arith.addi %add3A_162, %and3A_159 : vector<16xi32>
      %and3A_164 = arith.constant -65536 : i32
      %and3A_165 = vector.broadcast %and3A_164 : i32 to vector<16xi32>
      %and3A_166 = arith.andi %add3A_163, %and3A_165 : vector<16xi32>
      %bitcast_convert_type3A_167 = tpu.bitcast %and3A_166 : vector<16xi32> -> vector<16xf32>
      %mul3A_168 = vector.broadcast %squeeze3A_149 : f32 to vector<16xf32>
      %mul3A_169 = arith.mulf %mul3A_168, %bitcast_convert_type3A_167 : vector<16xf32>
      %slice3A_170 = vector.extract_strided_slice %bitcast_convert_type3A_75 {offsets = [1], sizes = [1], strides = [1]} : vector<16xf32> to vector<1xf32>
      %squeeze3A_171 = vector.extract %slice3A_170[0] : f32 from vector<1xf32>
      %get3A_172 = arith.constant 48 : index
      %get3A_173 = tpu.vector_load %arg9[%get3A_172] {strides = array<i32>} : memref<96xf32, #tpu.memory_space<vmem>>, vector<16xf32>,
      %get3A_174 = vector.shape_cast %get3A_173 : vector<16xf32> to vector<16xf32>
      %bitcast_convert_type3A_175 = tpu.bitcast %get3A_174 : vector<16xf32> -> vector<16xi32>
      %shift_right_logical3A_176 = arith.constant 16 : i32
      %shift_right_logical3A_177 = vector.broadcast %shift_right_logical3A_176 : i32 to vector<16xi32>
      %shift_right_logical3A_178 = arith.shrui %bitcast_convert_type3A_175, %shift_right_logical3A_177 : vector<16xi32>
      %and3A_179 = arith.constant 1 : i32
      %and3A_180 = vector.broadcast %and3A_179 : i32 to vector<16xi32>
      %and3A_181 = arith.andi %shift_right_logical3A_178, %and3A_180 : vector<16xi32>
      %add3A_182 = arith.constant 32767 : i32
      %add3A_183 = vector.broadcast %add3A_182 : i32 to vector<16xi32>
      %add3A_184 = arith.addi %bitcast_convert_type3A_175, %add3A_183 : vector<16xi32>
      %add3A_185 = arith.addi %add3A_184, %and3A_181 : vector<16xi32>
      %and3A_186 = arith.constant -65536 : i32
      %and3A_187 = vector.broadcast %and3A_186 : i32 to vector<16xi32>
      %and3A_188 = arith.andi %add3A_185, %and3A_187 : vector<16xi32>
      %bitcast_convert_type3A_189 = tpu.bitcast %and3A_188 : vector<16xi32> -> vector<16xf32>
      %mul3A_190 = vector.broadcast %squeeze3A_171 : f32 to vector<16xf32>
      %mul3A_191 = arith.mulf %mul3A_190, %bitcast_convert_type3A_189 : vector<16xf32>
      %add3A_192 = arith.addf %mul3A_169, %mul3A_191 : vector<16xf32>
      %slice3A_193 = vector.extract_strided_slice %bitcast_convert_type3A_75 {offsets = [2], sizes = [1], strides = [1]} : vector<16xf32> to vector<1xf32>
      %squeeze3A_194 = vector.extract %slice3A_193[0] : f32 from vector<1xf32>
      %get3A_195 = arith.constant 80 : index
      %get3A_196 = tpu.vector_load %arg9[%get3A_195] {strides = array<i32>} : memref<96xf32, #tpu.memory_space<vmem>>, vector<16xf32>,
      %get3A_197 = vector.shape_cast %get3A_196 : vector<16xf32> to vector<16xf32>
      %bitcast_convert_type3A_198 = tpu.bitcast %get3A_197 : vector<16xf32> -> vector<16xi32>
      %shift_right_logical3A_199 = arith.constant 16 : i32
      %shift_right_logical3A_200 = vector.broadcast %shift_right_logical3A_199 : i32 to vector<16xi32>
      %shift_right_logical3A_201 = arith.shrui %bitcast_convert_type3A_198, %shift_right_logical3A_200 : vector<16xi32>
      %and3A_202 = arith.constant 1 : i32
      %and3A_203 = vector.broadcast %and3A_202 : i32 to vector<16xi32>
      %and3A_204 = arith.andi %shift_right_logical3A_201, %and3A_203 : vector<16xi32>
      %add3A_205 = arith.constant 32767 : i32
      %add3A_206 = vector.broadcast %add3A_205 : i32 to vector<16xi32>
      %add3A_207 = arith.addi %bitcast_convert_type3A_198, %add3A_206 : vector<16xi32>
      %add3A_208 = arith.addi %add3A_207, %and3A_204 : vector<16xi32>
      %and3A_209 = arith.constant -65536 : i32
      %and3A_210 = vector.broadcast %and3A_209 : i32 to vector<16xi32>
      %and3A_211 = arith.andi %add3A_208, %and3A_210 : vector<16xi32>
      %bitcast_convert_type3A_212 = tpu.bitcast %and3A_211 : vector<16xi32> -> vector<16xf32>
      %mul3A_213 = vector.broadcast %squeeze3A_194 : f32 to vector<16xf32>
      %mul3A_214 = arith.mulf %mul3A_213, %bitcast_convert_type3A_212 : vector<16xf32>
      %add3A_215 = arith.addf %add3A_192, %mul3A_214 : vector<16xf32>
      %swap3A_216 = arith.constant 16 : index
      %swap3A_217 = tpu.vector_load %arg10[%swap3A_216] {strides = array<i32>} : memref<32xf32, #tpu.memory_space<vmem>>, vector<16xf32>,
      %swap3A_218 = vector.shape_cast %swap3A_217 : vector<16xf32> to vector<16xf32>
      %swap3A_219 = vector.shape_cast %add3A_215 : vector<16xf32> to vector<16xf32>
      tpu.vector_store %arg10[%swap3A_216], %swap3A_219 {strides = array<i32>} : memref<32xf32, #tpu.memory_space<vmem>>, vector<16xf32>,
      %broadcast_in_dim3A = arith.constant 0.000000e+00 : f32
      %broadcast_in_dim3A_220 = vector.broadcast %broadcast_in_dim3A : f32 to vector<16xf32>
      %get3A_221 = arith.constant 0 : index
      %get3A_222 = tpu.vector_load %arg10[%get3A_221] {strides = array<i32>} : memref<32xf32, #tpu.memory_space<vmem>>, vector<16xf32>,
      %get3A_223 = vector.shape_cast %get3A_222 : vector<16xf32> to vector<16xf32>
      %mul3A_224 = arith.mulf %get3A_223, %get3A_223 : vector<16xf32>
      %add3A_225 = arith.addf %broadcast_in_dim3A_220, %mul3A_224 : vector<16xf32>
      %get3A_226 = arith.constant 16 : index
      %get3A_227 = tpu.vector_load %arg10[%get3A_226] {strides = array<i32>} : memref<32xf32, #tpu.memory_space<vmem>>, vector<16xf32>,
      %get3A_228 = vector.shape_cast %get3A_227 : vector<16xf32> to vector<16xf32>
      %mul3A_229 = arith.mulf %get3A_228, %get3A_228 : vector<16xf32>
      %add3A_230 = arith.addf %add3A_225, %mul3A_229 : vector<16xf32>
      %iota3A_231 = tpu.iota {dimensions = array<i32: 0>} : vector<16xi32>
      %xor3A = arith.constant 8 : i32
      %xor3A_232 = vector.broadcast %xor3A : i32 to vector<16xi32>
      %xor3A_233 = arith.xori %iota3A_231, %xor3A_232 : vector<16xi32>
      %reshape3A = vector.shape_cast %xor3A_233 : vector<16xi32> to vector<16x1xi32>
      %gather3A = vector.shape_cast %reshape3A : vector<16x1xi32> to vector<16xi32>
      %gather3A_234 = tpu.dynamic_gather %add3A_230[%gather3A] in [0] : vector<16xf32>, vector<16xi32> -> vector<16xf32>
      %add3A_235 = arith.addf %add3A_230, %gather3A_234 : vector<16xf32>
      %xor3A_236 = arith.constant 4 : i32
      %xor3A_237 = vector.broadcast %xor3A_236 : i32 to vector<16xi32>
      %xor3A_238 = arith.xori %iota3A_231, %xor3A_237 : vector<16xi32>
      %reshape3A_239 = vector.shape_cast %xor3A_238 : vector<16xi32> to vector<16x1xi32>
      %gather3A_240 = vector.shape_cast %reshape3A_239 : vector<16x1xi32> to vector<16xi32>
      %gather3A_241 = tpu.dynamic_gather %add3A_235[%gather3A_240] in [0] : vector<16xf32>, vector<16xi32> -> vector<16xf32>
      %add3A_242 = arith.addf %add3A_235, %gather3A_241 : vector<16xf32>
      %xor3A_243 = arith.constant 2 : i32
      %xor3A_244 = vector.broadcast %xor3A_243 : i32 to vector<16xi32>
      %xor3A_245 = arith.xori %iota3A_231, %xor3A_244 : vector<16xi32>
      %reshape3A_246 = vector.shape_cast %xor3A_245 : vector<16xi32> to vector<16x1xi32>
      %gather3A_247 = vector.shape_cast %reshape3A_246 : vector<16x1xi32> to vector<16xi32>
      %gather3A_248 = tpu.dynamic_gather %add3A_242[%gather3A_247] in [0] : vector<16xf32>, vector<16xi32> -> vector<16xf32>
      %add3A_249 = arith.addf %add3A_242, %gather3A_248 : vector<16xf32>
      %xor3A_250 = arith.constant 1 : i32
      %xor3A_251 = vector.broadcast %xor3A_250 : i32 to vector<16xi32>
      %xor3A_252 = arith.xori %iota3A_231, %xor3A_251 : vector<16xi32>
      %reshape3A_253 = vector.shape_cast %xor3A_252 : vector<16xi32> to vector<16x1xi32>
      %gather3A_254 = vector.shape_cast %reshape3A_253 : vector<16x1xi32> to vector<16xi32>
      %gather3A_255 = tpu.dynamic_gather %add3A_249[%gather3A_254] in [0] : vector<16xf32>, vector<16xi32> -> vector<16xf32>
      %add3A_256 = arith.addf %add3A_249, %gather3A_255 : vector<16xf32>
      %max3A = arith.constant 1.000000e-24 : f32
      %max3A_257 = vector.broadcast %max3A : f32 to vector<16xf32>
      %max3A_258 = arith.maximumf %add3A_256, %max3A_257 : vector<16xf32>
      %bitcast_convert_type3A_259 = tpu.bitcast %max3A_258 : vector<16xf32> -> vector<16xi32>
      %shift_right_arithmetic3A = arith.constant 1 : i32
      %shift_right_arithmetic3A_260 = vector.broadcast %shift_right_arithmetic3A : i32 to vector<16xi32>
      %shift_right_arithmetic3A_261 = arith.shrsi %bitcast_convert_type3A_259, %shift_right_arithmetic3A_260 : vector<16xi32>
      %sub3A = arith.constant 1597463007 : i32
      %sub3A_262 = vector.broadcast %sub3A : i32 to vector<16xi32>
      %sub3A_263 = arith.subi %sub3A_262, %shift_right_arithmetic3A_261 : vector<16xi32>
      %bitcast_convert_type3A_264 = tpu.bitcast %sub3A_263 : vector<16xi32> -> vector<16xf32>
      %mul3A_265 = arith.constant 5.000000e-01 : f32
      %mul3A_266 = vector.broadcast %mul3A_265 : f32 to vector<16xf32>
      %mul3A_267 = arith.mulf %mul3A_266, %max3A_258 : vector<16xf32>
      %mul3A_268 = arith.mulf %mul3A_267, %bitcast_convert_type3A_264 : vector<16xf32>
      %mul3A_269 = arith.mulf %mul3A_268, %bitcast_convert_type3A_264 : vector<16xf32>
      %sub3A_270 = arith.constant 1.500000e+00 : f32
      %sub3A_271 = vector.broadcast %sub3A_270 : f32 to vector<16xf32>
      %sub3A_272 = arith.subf %sub3A_271, %mul3A_269 : vector<16xf32>
      %mul3A_273 = arith.mulf %bitcast_convert_type3A_264, %sub3A_272 : vector<16xf32>
      %mul3A_274 = arith.constant 5.000000e-01 : f32
      %mul3A_275 = vector.broadcast %mul3A_274 : f32 to vector<16xf32>
      %mul3A_276 = arith.mulf %mul3A_275, %max3A_258 : vector<16xf32>
      %mul3A_277 = arith.mulf %mul3A_276, %mul3A_273 : vector<16xf32>
      %mul3A_278 = arith.mulf %mul3A_277, %mul3A_273 : vector<16xf32>
      %sub3A_279 = arith.constant 1.500000e+00 : f32
      %sub3A_280 = vector.broadcast %sub3A_279 : f32 to vector<16xf32>
      %sub3A_281 = arith.subf %sub3A_280, %mul3A_278 : vector<16xf32>
      %mul3A_282 = arith.mulf %mul3A_273, %sub3A_281 : vector<16xf32>
      %mul3A_283 = arith.constant 5.000000e-01 : f32
      %mul3A_284 = vector.broadcast %mul3A_283 : f32 to vector<16xf32>
      %mul3A_285 = arith.mulf %mul3A_284, %max3A_258 : vector<16xf32>
      %mul3A_286 = arith.mulf %mul3A_285, %mul3A_282 : vector<16xf32>
      %mul3A_287 = arith.mulf %mul3A_286, %mul3A_282 : vector<16xf32>
      %sub3A_288 = arith.constant 1.500000e+00 : f32
      %sub3A_289 = vector.broadcast %sub3A_288 : f32 to vector<16xf32>
      %sub3A_290 = arith.subf %sub3A_289, %mul3A_287 : vector<16xf32>
      %mul3A_291 = arith.mulf %mul3A_282, %sub3A_290 : vector<16xf32>
      %mul3A_292 = arith.constant 5.000000e-01 : f32
      %mul3A_293 = vector.broadcast %mul3A_292 : f32 to vector<16xf32>
      %mul3A_294 = arith.mulf %mul3A_293, %max3A_258 : vector<16xf32>
      %mul3A_295 = arith.mulf %mul3A_294, %mul3A_291 : vector<16xf32>
      %mul3A_296 = arith.mulf %mul3A_295, %mul3A_291 : vector<16xf32>
      %sub3A_297 = arith.constant 1.500000e+00 : f32
      %sub3A_298 = vector.broadcast %sub3A_297 : f32 to vector<16xf32>
      %sub3A_299 = arith.subf %sub3A_298, %mul3A_296 : vector<16xf32>
      %mul3A_300 = arith.mulf %mul3A_291, %sub3A_299 : vector<16xf32>
      %get3A_301 = arith.constant 0 : index
      %get3A_302 = tpu.vector_load %arg10[%get3A_301] {strides = array<i32>} : memref<32xf32, #tpu.memory_space<vmem>>, vector<16xf32>,
      %get3A_303 = vector.shape_cast %get3A_302 : vector<16xf32> to vector<16xf32>
      %mul3A_304 = arith.mulf %get3A_303, %mul3A_300 : vector<16xf32>
      %swap3A_305 = arith.constant 0 : index
      %swap3A_306 = tpu.vector_load %arg10[%swap3A_305] {strides = array<i32>} : memref<32xf32, #tpu.memory_space<vmem>>, vector<16xf32>,
      %swap3A_307 = vector.shape_cast %swap3A_306 : vector<16xf32> to vector<16xf32>
      %swap3A_308 = vector.shape_cast %mul3A_304 : vector<16xf32> to vector<16xf32>
      tpu.vector_store %arg10[%swap3A_305], %swap3A_308 {strides = array<i32>} : memref<32xf32, #tpu.memory_space<vmem>>, vector<16xf32>,
      %get3A_309 = arith.constant 16 : index
      %get3A_310 = tpu.vector_load %arg10[%get3A_309] {strides = array<i32>} : memref<32xf32, #tpu.memory_space<vmem>>, vector<16xf32>,
      %get3A_311 = vector.shape_cast %get3A_310 : vector<16xf32> to vector<16xf32>
      %mul3A_312 = arith.mulf %get3A_311, %mul3A_300 : vector<16xf32>
      %swap3A_313 = arith.constant 16 : index
      %swap3A_314 = tpu.vector_load %arg10[%swap3A_313] {strides = array<i32>} : memref<32xf32, #tpu.memory_space<vmem>>, vector<16xf32>,
      %swap3A_315 = vector.shape_cast %swap3A_314 : vector<16xf32> to vector<16xf32>
      %swap3A_316 = vector.shape_cast %mul3A_312 : vector<16xf32> to vector<16xf32>
      tpu.vector_store %arg10[%swap3A_313], %swap3A_316 {strides = array<i32>} : memref<32xf32, #tpu.memory_space<vmem>>, vector<16xf32>,
      tpu.enqueue_dma source(%arg10 : memref<32xf32, #tpu.memory_space<vmem>>) target(%arg5 : memref<32xf32, #tpu.memory_space<hbm>>) target_semaphore(%arg11 : memref<!tpu.dma_semaphore, #tpu.memory_space<semaphore_mem>>)
      tpu.wait_dma2 semaphore(%arg11 : memref<!tpu.dma_semaphore, #tpu.memory_space<semaphore_mem>>) src(%arg10 : memref<32xf32, #tpu.memory_space<vmem>>) dst(%arg5 : memref<32xf32, #tpu.memory_space<hbm>>)
    } else {
    }
    return
  }
}

module attributes {stable_mosaic.version = 14 : i64} {
  func.func @_score_kernel(%arg0: i32, %arg1: memref<1x32xf32, #tpu.memory_space<vmem>>, %arg2: memref<32x1xf32, #tpu.memory_space<vmem>>, %arg3: memref<32x16384xf32, #tpu.memory_space<vmem>>, %arg4: memref<32x16384xf32, #tpu.memory_space<vmem>>, %arg5: memref<1x128xf32, #tpu.memory_space<vmem>>, %arg6: memref<1x128xi32, #tpu.memory_space<vmem>>, %arg7: memref<1x128xf32, #tpu.memory_space<vmem>>, %arg8: memref<1xf32, #tpu.memory_space<smem>>, %arg9: memref<1xf32, #tpu.memory_space<smem>>, %arg10: memref<1xf32, #tpu.memory_space<smem>>) attributes {dimension_semantics = [#tpu.dimension_semantics<arbitrary>], iteration_bounds = array<i64: 62>, scalar_prefetch = 0 : i64, scratch_operands = 3 : i64, tpu.core_type = #tpu.core_type<tc>, window_params = [{pipeline_mode = #tpu.pipeline_mode<synchronous>, transform_indices = @transform_0, window_bounds = array<i64: 1, 32>}, {pipeline_mode = #tpu.pipeline_mode<synchronous>, transform_indices = @transform_1, window_bounds = array<i64: 32, 1>}, {transform_indices = @transform_2, window_bounds = array<i64: 32, 16384>}, {transform_indices = @transform_3, window_bounds = array<i64: 32, 16384>}, {pipeline_mode = #tpu.pipeline_mode<synchronous>, transform_indices = @transform_4, window_bounds = array<i64: 1, 128>}, {pipeline_mode = #tpu.pipeline_mode<synchronous>, transform_indices = @transform_5, window_bounds = array<i64: 1, 128>}, {pipeline_mode = #tpu.pipeline_mode<synchronous>, transform_indices = @transform_6, window_bounds = array<i64: 1, 128>}]} {
    %eq3A = arith.constant 0 : i32
    %eq3A_0 = arith.cmpi eq, %arg0, %eq3A : i32
    %convert_element_type3A = arith.extui %eq3A_0 : i1 to i32
    %cond3A = arith.constant 0 : i32
    %cond3A_1 = arith.cmpi ne, %convert_element_type3A, %cond3A : i32
    scf.if %cond3A_1 {
      %broadcast_in_dim3A_92 = arith.constant 0xFF800000 : f32
      %broadcast_in_dim3A_93 = vector.broadcast %broadcast_in_dim3A_92 : f32 to vector<1x128xf32>
      %swap3A_94 = arith.constant 0 : index
      %swap3A_95 = arith.constant 0 : index
      %swap3A_96 = vector.load %arg5[%swap3A_94, %swap3A_95] : memref<1x128xf32, #tpu.memory_space<vmem>>, vector<1x128xf32>
      tpu.vector_store %arg5[%swap3A_94, %swap3A_95], %broadcast_in_dim3A_93 {strides = array<i32>} : memref<1x128xf32, #tpu.memory_space<vmem>>, vector<1x128xf32>,
      %broadcast_in_dim3A_97 = arith.constant 0 : i32
      %broadcast_in_dim3A_98 = vector.broadcast %broadcast_in_dim3A_97 : i32 to vector<1x128xi32>
      %swap3A_99 = arith.constant 0 : index
      %swap3A_100 = arith.constant 0 : index
      %swap3A_101 = vector.load %arg6[%swap3A_99, %swap3A_100] : memref<1x128xi32, #tpu.memory_space<vmem>>, vector<1x128xi32>
      tpu.vector_store %arg6[%swap3A_99, %swap3A_100], %broadcast_in_dim3A_98 {strides = array<i32>} : memref<1x128xi32, #tpu.memory_space<vmem>>, vector<1x128xi32>,
      %broadcast_in_dim3A_102 = arith.constant 0.000000e+00 : f32
      %broadcast_in_dim3A_103 = vector.broadcast %broadcast_in_dim3A_102 : f32 to vector<1x128xf32>
      %swap3A_104 = arith.constant 0 : index
      %swap3A_105 = arith.constant 0 : index
      %swap3A_106 = vector.load %arg7[%swap3A_104, %swap3A_105] : memref<1x128xf32, #tpu.memory_space<vmem>>, vector<1x128xf32>
      tpu.vector_store %arg7[%swap3A_104, %swap3A_105], %broadcast_in_dim3A_103 {strides = array<i32>} : memref<1x128xf32, #tpu.memory_space<vmem>>, vector<1x128xf32>,
      %swap3A_107 = arith.constant 0.000000e+00 : f32
      %swap3A_108 = arith.constant 0 : index
      %swap3A_109 = memref.load %arg8[%swap3A_108] : memref<1xf32, #tpu.memory_space<smem>>
      memref.store %swap3A_107, %arg8[%swap3A_108] : memref<1xf32, #tpu.memory_space<smem>>
      %swap3A_110 = arith.constant 0xFF800000 : f32
      %swap3A_111 = arith.constant 0 : index
      %swap3A_112 = memref.load %arg9[%swap3A_111] : memref<1xf32, #tpu.memory_space<smem>>
      memref.store %swap3A_110, %arg9[%swap3A_111] : memref<1xf32, #tpu.memory_space<smem>>
      %swap3A_113 = arith.constant 0xFF800000 : f32
      %swap3A_114 = arith.constant 0 : index
      %swap3A_115 = memref.load %arg10[%swap3A_114] : memref<1xf32, #tpu.memory_space<smem>>
      memref.store %swap3A_113, %arg10[%swap3A_114] : memref<1xf32, #tpu.memory_space<smem>>
    } else {
    }
    %get3A = arith.constant 0 : index
    %get3A_2 = arith.constant 0 : index
    %get3A_3 = vector.load %arg1[%get3A, %get3A_2] : memref<1x32xf32, #tpu.memory_space<vmem>>, vector<1x32xf32>
    %get3A_4 = arith.constant 0 : index
    %get3A_5 = arith.constant 0 : index
    %get3A_6 = vector.load %arg2[%get3A_4, %get3A_5] : memref<32x1xf32, #tpu.memory_space<vmem>>, vector<32x1xf32>
    %mul3A = arith.mulf %get3A_3, %get3A_3 : vector<1x32xf32>
    %reduce_sum3A = vector.shape_cast %mul3A : vector<1x32xf32> to vector<1x1x32xf32>
    %reduce_sum3A_7 = arith.constant dense<0.000000e+00> : vector<1xf32>
    %reduce_sum3A_8 = vector.multi_reduction <add>, %reduce_sum3A, %reduce_sum3A_7 [1, 2] : vector<1x1x32xf32> to vector<1xf32>
    %reduce_sum3A_9 = vector.shape_cast %reduce_sum3A_8 : vector<1xf32> to vector<1x1x1xf32>
    %reduce_sum3A_10 = vector.extract %reduce_sum3A_9[0, 0, 0] : f32 from vector<1x1x1xf32>
    %sqrt3A = math.sqrt %reduce_sum3A_10 : f32
    %max3A = arith.constant 9.99999996E-13 : f32
    %max3A_11 = arith.maximumf %sqrt3A, %max3A : f32
    %div3A = vector.broadcast %max3A_11 : f32 to vector<32x1xf32>
    %div3A_12 = arith.divf %get3A_6, %div3A : vector<32x1xf32>
    %get3A_13 = arith.constant 0 : index
    %get3A_14 = arith.constant 0 : index
    %get3A_15 = vector.load %arg3[%get3A_13, %get3A_14] : memref<32x16384xf32, #tpu.memory_space<vmem>>, vector<32x16384xf32>
    %mul3A_16 = arith.mulf %get3A_15, %get3A_15 : vector<32x16384xf32>
    %reduce_sum3A_17 = arith.constant dense<0.000000e+00> : vector<16384xf32>
    %reduce_sum3A_18 = vector.multi_reduction <add>, %mul3A_16, %reduce_sum3A_17 [0] : vector<32x16384xf32> to vector<16384xf32>
    %broadcast_in_dim3A = vector.shape_cast %reduce_sum3A_18 : vector<16384xf32> to vector<1x16384xf32>
    %sqrt3A_19 = math.sqrt %broadcast_in_dim3A : vector<1x16384xf32>
    %max3A_20 = arith.constant 9.99999996E-13 : f32
    %max3A_21 = vector.broadcast %max3A_20 : f32 to vector<1x16384xf32>
    %max3A_22 = arith.maximumf %sqrt3A_19, %max3A_21 : vector<1x16384xf32>
    %div3A_23 = vector.broadcast %max3A_22 : vector<1x16384xf32> to vector<32x16384xf32>
    %div3A_24 = arith.divf %get3A_15, %div3A_23 : vector<32x16384xf32>
    %convert_element_type3A_25 = arith.truncf %div3A_24 : vector<32x16384xf32> to vector<32x16384xbf16>
    %convert_element_type3A_26 = arith.extf %convert_element_type3A_25 : vector<32x16384xbf16> to vector<32x16384xf32>
    %convert_element_type3A_27 = arith.truncf %div3A_12 : vector<32x1xf32> to vector<32x1xbf16>
    %convert_element_type3A_28 = arith.extf %convert_element_type3A_27 : vector<32x1xbf16> to vector<32x1xf32>
    %mul3A_29 = vector.broadcast %convert_element_type3A_28 : vector<32x1xf32> to vector<32x16384xf32>
    %mul3A_30 = arith.mulf %convert_element_type3A_26, %mul3A_29 : vector<32x16384xf32>
    %reduce_sum3A_31 = arith.constant dense<0.000000e+00> : vector<16384xf32>
    %reduce_sum3A_32 = vector.multi_reduction <add>, %mul3A_30, %reduce_sum3A_31 [0] : vector<32x16384xf32> to vector<16384xf32>
    %broadcast_in_dim3A_33 = vector.shape_cast %reduce_sum3A_32 : vector<16384xf32> to vector<1x16384xf32>
    %get3A_34 = arith.constant 0 : index
    %get3A_35 = arith.constant 0 : index
    %get3A_36 = vector.load %arg4[%get3A_34, %get3A_35] : memref<32x16384xf32, #tpu.memory_space<vmem>>, vector<32x16384xf32>
    %convert_element_type3A_37 = arith.truncf %get3A_36 : vector<32x16384xf32> to vector<32x16384xbf16>
    %convert_element_type3A_38 = arith.extf %convert_element_type3A_37 : vector<32x16384xbf16> to vector<32x16384xf32>
    %convert_element_type3A_39 = arith.truncf %get3A_6 : vector<32x1xf32> to vector<32x1xbf16>
    %convert_element_type3A_40 = arith.extf %convert_element_type3A_39 : vector<32x1xbf16> to vector<32x1xf32>
    %mul3A_41 = vector.broadcast %convert_element_type3A_40 : vector<32x1xf32> to vector<32x16384xf32>
    %mul3A_42 = arith.mulf %convert_element_type3A_38, %mul3A_41 : vector<32x16384xf32>
    %reduce_sum3A_43 = arith.constant dense<0.000000e+00> : vector<16384xf32>
    %reduce_sum3A_44 = vector.multi_reduction <add>, %mul3A_42, %reduce_sum3A_43 [0] : vector<32x16384xf32> to vector<16384xf32>
    %broadcast_in_dim3A_45 = vector.shape_cast %reduce_sum3A_44 : vector<16384xf32> to vector<1x16384xf32>
    %mul3A_46 = arith.constant 5.000000e-01 : f32
    %mul3A_47 = vector.broadcast %mul3A_46 : f32 to vector<1x16384xf32>
    %mul3A_48 = arith.mulf %mul3A_47, %broadcast_in_dim3A_45 : vector<1x16384xf32>
    %mul3A_49 = arith.constant 5.000000e-01 : f32
    %mul3A_50 = vector.broadcast %mul3A_49 : f32 to vector<1x16384xf32>
    %mul3A_51 = arith.mulf %mul3A_50, %broadcast_in_dim3A_33 : vector<1x16384xf32>
    %add3A = arith.addf %mul3A_48, %mul3A_51 : vector<1x16384xf32>
    %iota3A = tpu.iota {dimensions = array<i32: 1>} : vector<1x16384xi32>
    %mul3A_52 = arith.constant 16384 : i32
    %mul3A_53 = arith.muli %arg0, %mul3A_52 : i32
    %add3A_54 = vector.broadcast %mul3A_53 : i32 to vector<1x16384xi32>
    %add3A_55 = arith.addi %add3A_54, %iota3A : vector<1x16384xi32>
    %lt3A = arith.constant 1000000 : i32
    %lt3A_56 = vector.broadcast %lt3A : i32 to vector<1x16384xi32>
    %lt3A_57 = arith.cmpi slt, %add3A_55, %lt3A_56 : vector<1x16384xi32>
    %jit3A = arith.constant 0xFF800000 : f32
    %broadcast_in_dim3A_58 = vector.broadcast %jit3A : f32 to vector<1x16384xf32>
    %select_n3A = arith.select %lt3A_57, %add3A, %broadcast_in_dim3A_58 : vector<1x16384xi1>, vector<1x16384xf32>
    %reduce_max3A = vector.shape_cast %select_n3A : vector<1x16384xf32> to vector<1x1x16384xf32>
    %reduce_max3A_59 = arith.constant dense<0xFF800000> : vector<1xf32>
    %reduce_max3A_60 = vector.multi_reduction <maximumf>, %reduce_max3A, %reduce_max3A_59 [1, 2] : vector<1x1x16384xf32> to vector<1xf32>
    %reduce_max3A_61 = vector.shape_cast %reduce_max3A_60 : vector<1xf32> to vector<1x1x1xf32>
    %reduce_max3A_62 = vector.extract %reduce_max3A_61[0, 0, 0] : f32 from vector<1x1x1xf32>
    %get3A_63 = arith.constant 0 : index
    %get3A_64 = memref.load %arg9[%get3A_63] : memref<1xf32, #tpu.memory_space<smem>>
    %max3A_65 = arith.maximumf %get3A_64, %reduce_max3A_62 : f32
    %swap3A = arith.constant 0 : index
    %swap3A_66 = memref.load %arg9[%swap3A] : memref<1xf32, #tpu.memory_space<smem>>
    memref.store %max3A_65, %arg9[%swap3A] : memref<1xf32, #tpu.memory_space<smem>>
    %get3A_67 = arith.constant 0 : index
    %get3A_68 = memref.load %arg8[%get3A_67] : memref<1xf32, #tpu.memory_space<smem>>
    %sub3A = arith.subf %get3A_64, %max3A_65 : f32
    %exp3A = math.exp %sub3A : f32
    %mul3A_69 = arith.mulf %get3A_68, %exp3A : f32
    %sub3A_70 = vector.broadcast %max3A_65 : f32 to vector<1x16384xf32>
    %sub3A_71 = arith.subf %select_n3A, %sub3A_70 : vector<1x16384xf32>
    %exp3A_72 = math.exp %sub3A_71 : vector<1x16384xf32>
    %reduce_sum3A_73 = vector.shape_cast %exp3A_72 : vector<1x16384xf32> to vector<1x1x16384xf32>
    %reduce_sum3A_74 = arith.constant dense<0.000000e+00> : vector<1xf32>
    %reduce_sum3A_75 = vector.multi_reduction <add>, %reduce_sum3A_73, %reduce_sum3A_74 [1, 2] : vector<1x1x16384xf32> to vector<1xf32>
    %reduce_sum3A_76 = vector.shape_cast %reduce_sum3A_75 : vector<1xf32> to vector<1x1x1xf32>
    %reduce_sum3A_77 = vector.extract %reduce_sum3A_76[0, 0, 0] : f32 from vector<1x1x1xf32>
    %add3A_78 = arith.addf %mul3A_69, %reduce_sum3A_77 : f32
    %swap3A_79 = arith.constant 0 : index
    %swap3A_80 = memref.load %arg8[%swap3A_79] : memref<1xf32, #tpu.memory_space<smem>>
    memref.store %add3A_78, %arg8[%swap3A_79] : memref<1xf32, #tpu.memory_space<smem>>
    %iota3A_81 = tpu.iota {dimensions = array<i32: 1>} : vector<1x128xi32>
    %get3A_82 = arith.constant 0 : index
    %get3A_83 = memref.load %arg10[%get3A_82] : memref<1xf32, #tpu.memory_space<smem>>
    %gt3A = arith.cmpf ogt, %reduce_max3A_62, %get3A_83 : f32
    %convert_element_type3A_84 = arith.extui %gt3A : i1 to i32
    %cond3A_85 = arith.constant 0 : i32
    %cond3A_86 = arith.cmpi ne, %convert_element_type3A_84, %cond3A_85 : i32
    scf.if %cond3A_86 {
      %reduce_max3A_92 = vector.shape_cast %select_n3A : vector<1x16384xf32> to vector<1x1x16384xf32>
      %reduce_max3A_93 = arith.constant dense<0xFF800000> : vector<1xf32>
      %reduce_max3A_94 = vector.multi_reduction <maximumf>, %reduce_max3A_92, %reduce_max3A_93 [1, 2] : vector<1x1x16384xf32> to vector<1xf32>
      %reduce_max3A_95 = vector.shape_cast %reduce_max3A_94 : vector<1xf32> to vector<1x1x1xf32>
      %reduce_max3A_96 = vector.extract %reduce_max3A_95[0, 0, 0] : f32 from vector<1x1x1xf32>
      %eq3A_97 = vector.broadcast %reduce_max3A_96 : f32 to vector<1x16384xf32>
      %eq3A_98 = arith.cmpf oeq, %select_n3A, %eq3A_97 : vector<1x16384xf32>
      %jit3A_99 = arith.constant 2147483647 : i32
      %broadcast_in_dim3A_100 = vector.broadcast %jit3A_99 : i32 to vector<1x16384xi32>
      %select_n3A_101 = arith.select %eq3A_98, %add3A_55, %broadcast_in_dim3A_100 : vector<1x16384xi1>, vector<1x16384xi32>
      %reduce_min3A = vector.shape_cast %select_n3A_101 : vector<1x16384xi32> to vector<1x1x16384xi32>
      %reduce_min3A_102 = arith.constant dense<2147483647> : vector<1xi32>
      %reduce_min3A_103 = vector.multi_reduction <minsi>, %reduce_min3A, %reduce_min3A_102 [1, 2] : vector<1x1x16384xi32> to vector<1xi32>
      %reduce_min3A_104 = vector.shape_cast %reduce_min3A_103 : vector<1xi32> to vector<1x1x1xi32>
      %reduce_min3A_105 = vector.extract %reduce_min3A_104[0, 0, 0] : i32 from vector<1x1x1xi32>
      %eq3A_106 = vector.broadcast %reduce_min3A_105 : i32 to vector<1x16384xi32>
      %eq3A_107 = arith.cmpi eq, %add3A_55, %eq3A_106 : vector<1x16384xi32>
      %jit3A_108 = arith.constant 0xFF800000 : f32
      %broadcast_in_dim3A_109 = vector.broadcast %jit3A_108 : f32 to vector<1x16384xf32>
      %select_n3A_110 = arith.select %eq3A_107, %broadcast_in_dim3A_109, %select_n3A : vector<1x16384xi1>, vector<1x16384xf32>
      %reduce_max3A_111 = vector.shape_cast %select_n3A_110 : vector<1x16384xf32> to vector<1x1x16384xf32>
      %reduce_max3A_112 = arith.constant dense<0xFF800000> : vector<1xf32>
      %reduce_max3A_113 = vector.multi_reduction <maximumf>, %reduce_max3A_111, %reduce_max3A_112 [1, 2] : vector<1x1x16384xf32> to vector<1xf32>
      %reduce_max3A_114 = vector.shape_cast %reduce_max3A_113 : vector<1xf32> to vector<1x1x1xf32>
      %reduce_max3A_115 = vector.extract %reduce_max3A_114[0, 0, 0] : f32 from vector<1x1x1xf32>
      %eq3A_116 = vector.broadcast %reduce_max3A_115 : f32 to vector<1x16384xf32>
      %eq3A_117 = arith.cmpf oeq, %select_n3A_110, %eq3A_116 : vector<1x16384xf32>
      %jit3A_118 = arith.constant 2147483647 : i32
      %broadcast_in_dim3A_119 = vector.broadcast %jit3A_118 : i32 to vector<1x16384xi32>
      %select_n3A_120 = arith.select %eq3A_117, %add3A_55, %broadcast_in_dim3A_119 : vector<1x16384xi1>, vector<1x16384xi32>
      %reduce_min3A_121 = vector.shape_cast %select_n3A_120 : vector<1x16384xi32> to vector<1x1x16384xi32>
      %reduce_min3A_122 = arith.constant dense<2147483647> : vector<1xi32>
      %reduce_min3A_123 = vector.multi_reduction <minsi>, %reduce_min3A_121, %reduce_min3A_122 [1, 2] : vector<1x1x16384xi32> to vector<1xi32>
      %reduce_min3A_124 = vector.shape_cast %reduce_min3A_123 : vector<1xi32> to vector<1x1x1xi32>
      %reduce_min3A_125 = vector.extract %reduce_min3A_124[0, 0, 0] : i32 from vector<1x1x1xi32>
      %eq3A_126 = vector.broadcast %reduce_min3A_125 : i32 to vector<1x16384xi32>
      %eq3A_127 = arith.cmpi eq, %add3A_55, %eq3A_126 : vector<1x16384xi32>
      %jit3A_128 = arith.constant 0xFF800000 : f32
      %broadcast_in_dim3A_129 = vector.broadcast %jit3A_128 : f32 to vector<1x16384xf32>
      %select_n3A_130 = arith.select %eq3A_127, %broadcast_in_dim3A_129, %select_n3A_110 : vector<1x16384xi1>, vector<1x16384xf32>
      %reduce_max3A_131 = vector.shape_cast %select_n3A_130 : vector<1x16384xf32> to vector<1x1x16384xf32>
      %reduce_max3A_132 = arith.constant dense<0xFF800000> : vector<1xf32>
      %reduce_max3A_133 = vector.multi_reduction <maximumf>, %reduce_max3A_131, %reduce_max3A_132 [1, 2] : vector<1x1x16384xf32> to vector<1xf32>
      %reduce_max3A_134 = vector.shape_cast %reduce_max3A_133 : vector<1xf32> to vector<1x1x1xf32>
      %reduce_max3A_135 = vector.extract %reduce_max3A_134[0, 0, 0] : f32 from vector<1x1x1xf32>
      %eq3A_136 = vector.broadcast %reduce_max3A_135 : f32 to vector<1x16384xf32>
      %eq3A_137 = arith.cmpf oeq, %select_n3A_130, %eq3A_136 : vector<1x16384xf32>
      %jit3A_138 = arith.constant 2147483647 : i32
      %broadcast_in_dim3A_139 = vector.broadcast %jit3A_138 : i32 to vector<1x16384xi32>
      %select_n3A_140 = arith.select %eq3A_137, %add3A_55, %broadcast_in_dim3A_139 : vector<1x16384xi1>, vector<1x16384xi32>
      %reduce_min3A_141 = vector.shape_cast %select_n3A_140 : vector<1x16384xi32> to vector<1x1x16384xi32>
      %reduce_min3A_142 = arith.constant dense<2147483647> : vector<1xi32>
      %reduce_min3A_143 = vector.multi_reduction <minsi>, %reduce_min3A_141, %reduce_min3A_142 [1, 2] : vector<1x1x16384xi32> to vector<1xi32>
      %reduce_min3A_144 = vector.shape_cast %reduce_min3A_143 : vector<1xi32> to vector<1x1x1xi32>
      %reduce_min3A_145 = vector.extract %reduce_min3A_144[0, 0, 0] : i32 from vector<1x1x1xi32>
      %get3A_146 = arith.constant 0 : index
      %get3A_147 = arith.constant 0 : index
      %get3A_148 = vector.load %arg5[%get3A_146, %get3A_147] : memref<1x128xf32, #tpu.memory_space<vmem>>, vector<1x128xf32>
      %get3A_149 = arith.constant 0 : index
      %get3A_150 = arith.constant 0 : index
      %get3A_151 = vector.load %arg6[%get3A_149, %get3A_150] : memref<1x128xi32, #tpu.memory_space<vmem>>, vector<1x128xi32>
      %eq3A_152 = arith.constant 3 : i32
      %eq3A_153 = vector.broadcast %eq3A_152 : i32 to vector<1x128xi32>
      %eq3A_154 = arith.cmpi eq, %iota3A_81, %eq3A_153 : vector<1x128xi32>
      %broadcast_in_dim3A_155 = vector.broadcast %reduce_max3A_96 : f32 to vector<1x128xf32>
      %select_n3A_156 = arith.select %eq3A_154, %broadcast_in_dim3A_155, %get3A_148 : vector<1x128xi1>, vector<1x128xf32>
      %eq3A_157 = arith.constant 3 : i32
      %eq3A_158 = vector.broadcast %eq3A_157 : i32 to vector<1x128xi32>
      %eq3A_159 = arith.cmpi eq, %iota3A_81, %eq3A_158 : vector<1x128xi32>
      %broadcast_in_dim3A_160 = vector.broadcast %reduce_min3A_105 : i32 to vector<1x128xi32>
      %select_n3A_161 = arith.select %eq3A_159, %broadcast_in_dim3A_160, %get3A_151 : vector<1x128xi1>, vector<1x128xi32>
      %eq3A_162 = arith.constant 4 : i32
      %eq3A_163 = vector.broadcast %eq3A_162 : i32 to vector<1x128xi32>
      %eq3A_164 = arith.cmpi eq, %iota3A_81, %eq3A_163 : vector<1x128xi32>
      %broadcast_in_dim3A_165 = vector.broadcast %reduce_max3A_115 : f32 to vector<1x128xf32>
      %select_n3A_166 = arith.select %eq3A_164, %broadcast_in_dim3A_165, %select_n3A_156 : vector<1x128xi1>, vector<1x128xf32>
      %eq3A_167 = arith.constant 4 : i32
      %eq3A_168 = vector.broadcast %eq3A_167 : i32 to vector<1x128xi32>
      %eq3A_169 = arith.cmpi eq, %iota3A_81, %eq3A_168 : vector<1x128xi32>
      %broadcast_in_dim3A_170 = vector.broadcast %reduce_min3A_125 : i32 to vector<1x128xi32>
      %select_n3A_171 = arith.select %eq3A_169, %broadcast_in_dim3A_170, %select_n3A_161 : vector<1x128xi1>, vector<1x128xi32>
      %eq3A_172 = arith.constant 5 : i32
      %eq3A_173 = vector.broadcast %eq3A_172 : i32 to vector<1x128xi32>
      %eq3A_174 = arith.cmpi eq, %iota3A_81, %eq3A_173 : vector<1x128xi32>
      %broadcast_in_dim3A_175 = vector.broadcast %reduce_max3A_135 : f32 to vector<1x128xf32>
      %select_n3A_176 = arith.select %eq3A_174, %broadcast_in_dim3A_175, %select_n3A_166 : vector<1x128xi1>, vector<1x128xf32>
      %eq3A_177 = arith.constant 5 : i32
      %eq3A_178 = vector.broadcast %eq3A_177 : i32 to vector<1x128xi32>
      %eq3A_179 = arith.cmpi eq, %iota3A_81, %eq3A_178 : vector<1x128xi32>
      %broadcast_in_dim3A_180 = vector.broadcast %reduce_min3A_145 : i32 to vector<1x128xi32>
      %select_n3A_181 = arith.select %eq3A_179, %broadcast_in_dim3A_180, %select_n3A_171 : vector<1x128xi1>, vector<1x128xi32>
      %broadcast_in_dim3A_182 = arith.constant 0xFF800000 : f32
      %broadcast_in_dim3A_183 = vector.broadcast %broadcast_in_dim3A_182 : f32 to vector<1x128xf32>
      %broadcast_in_dim3A_184 = arith.constant 0 : i32
      %broadcast_in_dim3A_185 = vector.broadcast %broadcast_in_dim3A_184 : i32 to vector<1x128xi32>
      %reduce_max3A_186 = vector.shape_cast %select_n3A_176 : vector<1x128xf32> to vector<1x1x128xf32>
      %reduce_max3A_187 = arith.constant dense<0xFF800000> : vector<1xf32>
      %reduce_max3A_188 = vector.multi_reduction <maximumf>, %reduce_max3A_186, %reduce_max3A_187 [1, 2] : vector<1x1x128xf32> to vector<1xf32>
      %reduce_max3A_189 = vector.shape_cast %reduce_max3A_188 : vector<1xf32> to vector<1x1x1xf32>
      %reduce_max3A_190 = vector.extract %reduce_max3A_189[0, 0, 0] : f32 from vector<1x1x1xf32>
      %eq3A_191 = vector.broadcast %reduce_max3A_190 : f32 to vector<1x128xf32>
      %eq3A_192 = arith.cmpf oeq, %select_n3A_176, %eq3A_191 : vector<1x128xf32>
      %jit3A_193 = arith.constant 2147483647 : i32
      %broadcast_in_dim3A_194 = vector.broadcast %jit3A_193 : i32 to vector<1x128xi32>
      %select_n3A_195 = arith.select %eq3A_192, %select_n3A_181, %broadcast_in_dim3A_194 : vector<1x128xi1>, vector<1x128xi32>
      %reduce_min3A_196 = vector.shape_cast %select_n3A_195 : vector<1x128xi32> to vector<1x1x128xi32>
      %reduce_min3A_197 = arith.constant dense<2147483647> : vector<1xi32>
      %reduce_min3A_198 = vector.multi_reduction <minsi>, %reduce_min3A_196, %reduce_min3A_197 [1, 2] : vector<1x1x128xi32> to vector<1xi32>
      %reduce_min3A_199 = vector.shape_cast %reduce_min3A_198 : vector<1xi32> to vector<1x1x1xi32>
      %reduce_min3A_200 = vector.extract %reduce_min3A_199[0, 0, 0] : i32 from vector<1x1x1xi32>
      %eq3A_201 = arith.constant 0 : i32
      %eq3A_202 = vector.broadcast %eq3A_201 : i32 to vector<1x128xi32>
      %eq3A_203 = arith.cmpi eq, %iota3A_81, %eq3A_202 : vector<1x128xi32>
      %broadcast_in_dim3A_204 = vector.broadcast %reduce_max3A_190 : f32 to vector<1x128xf32>
      %select_n3A_205 = arith.select %eq3A_203, %broadcast_in_dim3A_204, %broadcast_in_dim3A_183 : vector<1x128xi1>, vector<1x128xf32>
      %eq3A_206 = arith.constant 0 : i32
      %eq3A_207 = vector.broadcast %eq3A_206 : i32 to vector<1x128xi32>
      %eq3A_208 = arith.cmpi eq, %iota3A_81, %eq3A_207 : vector<1x128xi32>
      %broadcast_in_dim3A_209 = vector.broadcast %reduce_min3A_200 : i32 to vector<1x128xi32>
      %select_n3A_210 = arith.select %eq3A_208, %broadcast_in_dim3A_209, %broadcast_in_dim3A_185 : vector<1x128xi1>, vector<1x128xi32>
      %eq3A_211 = vector.broadcast %reduce_max3A_190 : f32 to vector<1x128xf32>
      %eq3A_212 = arith.cmpf oeq, %select_n3A_176, %eq3A_211 : vector<1x128xf32>
      %eq3A_213 = vector.broadcast %reduce_min3A_200 : i32 to vector<1x128xi32>
      %eq3A_214 = arith.cmpi eq, %select_n3A_181, %eq3A_213 : vector<1x128xi32>
      %and3A = arith.andi %eq3A_212, %eq3A_214 : vector<1x128xi1>
      %jit3A_215 = arith.constant 0xFF800000 : f32
      %broadcast_in_dim3A_216 = vector.broadcast %jit3A_215 : f32 to vector<1x128xf32>
      %select_n3A_217 = arith.select %and3A, %broadcast_in_dim3A_216, %select_n3A_176 : vector<1x128xi1>, vector<1x128xf32>
      %reduce_max3A_218 = vector.shape_cast %select_n3A_217 : vector<1x128xf32> to vector<1x1x128xf32>
      %reduce_max3A_219 = arith.constant dense<0xFF800000> : vector<1xf32>
      %reduce_max3A_220 = vector.multi_reduction <maximumf>, %reduce_max3A_218, %reduce_max3A_219 [1, 2] : vector<1x1x128xf32> to vector<1xf32>
      %reduce_max3A_221 = vector.shape_cast %reduce_max3A_220 : vector<1xf32> to vector<1x1x1xf32>
      %reduce_max3A_222 = vector.extract %reduce_max3A_221[0, 0, 0] : f32 from vector<1x1x1xf32>
      %eq3A_223 = vector.broadcast %reduce_max3A_222 : f32 to vector<1x128xf32>
      %eq3A_224 = arith.cmpf oeq, %select_n3A_217, %eq3A_223 : vector<1x128xf32>
      %jit3A_225 = arith.constant 2147483647 : i32
      %broadcast_in_dim3A_226 = vector.broadcast %jit3A_225 : i32 to vector<1x128xi32>
      %select_n3A_227 = arith.select %eq3A_224, %select_n3A_181, %broadcast_in_dim3A_226 : vector<1x128xi1>, vector<1x128xi32>
      %reduce_min3A_228 = vector.shape_cast %select_n3A_227 : vector<1x128xi32> to vector<1x1x128xi32>
      %reduce_min3A_229 = arith.constant dense<2147483647> : vector<1xi32>
      %reduce_min3A_230 = vector.multi_reduction <minsi>, %reduce_min3A_228, %reduce_min3A_229 [1, 2] : vector<1x1x128xi32> to vector<1xi32>
      %reduce_min3A_231 = vector.shape_cast %reduce_min3A_230 : vector<1xi32> to vector<1x1x1xi32>
      %reduce_min3A_232 = vector.extract %reduce_min3A_231[0, 0, 0] : i32 from vector<1x1x1xi32>
      %eq3A_233 = arith.constant 1 : i32
      %eq3A_234 = vector.broadcast %eq3A_233 : i32 to vector<1x128xi32>
      %eq3A_235 = arith.cmpi eq, %iota3A_81, %eq3A_234 : vector<1x128xi32>
      %broadcast_in_dim3A_236 = vector.broadcast %reduce_max3A_222 : f32 to vector<1x128xf32>
      %select_n3A_237 = arith.select %eq3A_235, %broadcast_in_dim3A_236, %select_n3A_205 : vector<1x128xi1>, vector<1x128xf32>
      %eq3A_238 = arith.constant 1 : i32
      %eq3A_239 = vector.broadcast %eq3A_238 : i32 to vector<1x128xi32>
      %eq3A_240 = arith.cmpi eq, %iota3A_81, %eq3A_239 : vector<1x128xi32>
      %broadcast_in_dim3A_241 = vector.broadcast %reduce_min3A_232 : i32 to vector<1x128xi32>
      %select_n3A_242 = arith.select %eq3A_240, %broadcast_in_dim3A_241, %select_n3A_210 : vector<1x128xi1>, vector<1x128xi32>
      %eq3A_243 = vector.broadcast %reduce_max3A_222 : f32 to vector<1x128xf32>
      %eq3A_244 = arith.cmpf oeq, %select_n3A_217, %eq3A_243 : vector<1x128xf32>
      %eq3A_245 = vector.broadcast %reduce_min3A_232 : i32 to vector<1x128xi32>
      %eq3A_246 = arith.cmpi eq, %select_n3A_181, %eq3A_245 : vector<1x128xi32>
      %and3A_247 = arith.andi %eq3A_244, %eq3A_246 : vector<1x128xi1>
      %jit3A_248 = arith.constant 0xFF800000 : f32
      %broadcast_in_dim3A_249 = vector.broadcast %jit3A_248 : f32 to vector<1x128xf32>
      %select_n3A_250 = arith.select %and3A_247, %broadcast_in_dim3A_249, %select_n3A_217 : vector<1x128xi1>, vector<1x128xf32>
      %reduce_max3A_251 = vector.shape_cast %select_n3A_250 : vector<1x128xf32> to vector<1x1x128xf32>
      %reduce_max3A_252 = arith.constant dense<0xFF800000> : vector<1xf32>
      %reduce_max3A_253 = vector.multi_reduction <maximumf>, %reduce_max3A_251, %reduce_max3A_252 [1, 2] : vector<1x1x128xf32> to vector<1xf32>
      %reduce_max3A_254 = vector.shape_cast %reduce_max3A_253 : vector<1xf32> to vector<1x1x1xf32>
      %reduce_max3A_255 = vector.extract %reduce_max3A_254[0, 0, 0] : f32 from vector<1x1x1xf32>
      %eq3A_256 = vector.broadcast %reduce_max3A_255 : f32 to vector<1x128xf32>
      %eq3A_257 = arith.cmpf oeq, %select_n3A_250, %eq3A_256 : vector<1x128xf32>
      %jit3A_258 = arith.constant 2147483647 : i32
      %broadcast_in_dim3A_259 = vector.broadcast %jit3A_258 : i32 to vector<1x128xi32>
      %select_n3A_260 = arith.select %eq3A_257, %select_n3A_181, %broadcast_in_dim3A_259 : vector<1x128xi1>, vector<1x128xi32>
      %reduce_min3A_261 = vector.shape_cast %select_n3A_260 : vector<1x128xi32> to vector<1x1x128xi32>
      %reduce_min3A_262 = arith.constant dense<2147483647> : vector<1xi32>
      %reduce_min3A_263 = vector.multi_reduction <minsi>, %reduce_min3A_261, %reduce_min3A_262 [1, 2] : vector<1x1x128xi32> to vector<1xi32>
      %reduce_min3A_264 = vector.shape_cast %reduce_min3A_263 : vector<1xi32> to vector<1x1x1xi32>
      %reduce_min3A_265 = vector.extract %reduce_min3A_264[0, 0, 0] : i32 from vector<1x1x1xi32>
      %eq3A_266 = arith.constant 2 : i32
      %eq3A_267 = vector.broadcast %eq3A_266 : i32 to vector<1x128xi32>
      %eq3A_268 = arith.cmpi eq, %iota3A_81, %eq3A_267 : vector<1x128xi32>
      %broadcast_in_dim3A_269 = vector.broadcast %reduce_max3A_255 : f32 to vector<1x128xf32>
      %select_n3A_270 = arith.select %eq3A_268, %broadcast_in_dim3A_269, %select_n3A_237 : vector<1x128xi1>, vector<1x128xf32>
      %eq3A_271 = arith.constant 2 : i32
      %eq3A_272 = vector.broadcast %eq3A_271 : i32 to vector<1x128xi32>
      %eq3A_273 = arith.cmpi eq, %iota3A_81, %eq3A_272 : vector<1x128xi32>
      %broadcast_in_dim3A_274 = vector.broadcast %reduce_min3A_265 : i32 to vector<1x128xi32>
      %select_n3A_275 = arith.select %eq3A_273, %broadcast_in_dim3A_274, %select_n3A_242 : vector<1x128xi1>, vector<1x128xi32>
      %swap3A_276 = arith.constant 0 : index
      %swap3A_277 = arith.constant 0 : index
      %swap3A_278 = vector.load %arg5[%swap3A_276, %swap3A_277] : memref<1x128xf32, #tpu.memory_space<vmem>>, vector<1x128xf32>
      tpu.vector_store %arg5[%swap3A_276, %swap3A_277], %select_n3A_270 {strides = array<i32>} : memref<1x128xf32, #tpu.memory_space<vmem>>, vector<1x128xf32>,
      %swap3A_279 = arith.constant 0 : index
      %swap3A_280 = arith.constant 0 : index
      %swap3A_281 = vector.load %arg6[%swap3A_279, %swap3A_280] : memref<1x128xi32, #tpu.memory_space<vmem>>, vector<1x128xi32>
      tpu.vector_store %arg6[%swap3A_279, %swap3A_280], %select_n3A_275 {strides = array<i32>} : memref<1x128xi32, #tpu.memory_space<vmem>>, vector<1x128xi32>,
      %swap3A_282 = arith.constant 0 : index
      %swap3A_283 = memref.load %arg10[%swap3A_282] : memref<1xf32, #tpu.memory_space<smem>>
      memref.store %reduce_max3A_255, %arg10[%swap3A_282] : memref<1xf32, #tpu.memory_space<smem>>
    } else {
    }
    %eq3A_87 = arith.constant 61 : i32
    %eq3A_88 = arith.cmpi eq, %arg0, %eq3A_87 : i32
    %convert_element_type3A_89 = arith.extui %eq3A_88 : i1 to i32
    %cond3A_90 = arith.constant 0 : i32
    %cond3A_91 = arith.cmpi ne, %convert_element_type3A_89, %cond3A_90 : i32
    scf.if %cond3A_91 {
      %get3A_92 = arith.constant 0 : index
      %get3A_93 = arith.constant 0 : index
      %get3A_94 = vector.load %arg5[%get3A_92, %get3A_93] : memref<1x128xf32, #tpu.memory_space<vmem>>, vector<1x128xf32>
      %lt3A_95 = arith.constant 3 : i32
      %lt3A_96 = vector.broadcast %lt3A_95 : i32 to vector<1x128xi32>
      %lt3A_97 = arith.cmpi slt, %iota3A_81, %lt3A_96 : vector<1x128xi32>
      %sub3A_98 = vector.broadcast %max3A_65 : f32 to vector<1x128xf32>
      %sub3A_99 = arith.subf %get3A_94, %sub3A_98 : vector<1x128xf32>
      %exp3A_100 = math.exp %sub3A_99 : vector<1x128xf32>
      %div3A_101 = vector.broadcast %add3A_78 : f32 to vector<1x128xf32>
      %div3A_102 = arith.divf %exp3A_100, %div3A_101 : vector<1x128xf32>
      %jit3A_103 = arith.constant 0.000000e+00 : f32
      %broadcast_in_dim3A_104 = vector.broadcast %jit3A_103 : f32 to vector<1x128xf32>
      %select_n3A_105 = arith.select %lt3A_97, %div3A_102, %broadcast_in_dim3A_104 : vector<1x128xi1>, vector<1x128xf32>
      %swap3A_106 = arith.constant 0 : index
      %swap3A_107 = arith.constant 0 : index
      %swap3A_108 = vector.load %arg7[%swap3A_106, %swap3A_107] : memref<1x128xf32, #tpu.memory_space<vmem>>, vector<1x128xf32>
      tpu.vector_store %arg7[%swap3A_106, %swap3A_107], %select_n3A_105 {strides = array<i32>} : memref<1x128xf32, #tpu.memory_space<vmem>>, vector<1x128xf32>,
    } else {
    }
    return
  }
  func.func @transform_0(%arg0: i32) -> (i32, i32) {
    %c0_i32 = arith.constant 0 : i32
    %c0_i32_0 = arith.constant 0 : i32
    %c0_i32_1 = arith.constant 0 : i32
    return %c0_i32, %c0_i32_0 : i32, i32
  }
  func.func @transform_1(%arg0: i32) -> (i32, i32) {
    %c0_i32 = arith.constant 0 : i32
    %c0_i32_0 = arith.constant 0 : i32
    %c0_i32_1 = arith.constant 0 : i32
    return %c0_i32, %c0_i32_0 : i32, i32
  }
  func.func @transform_2(%arg0: i32) -> (i32, i32) {
    %c0_i32 = arith.constant 0 : i32
    %c0_i32_0 = arith.constant 0 : i32
    return %c0_i32, %arg0 : i32, i32
  }
  func.func @transform_3(%arg0: i32) -> (i32, i32) {
    %c0_i32 = arith.constant 0 : i32
    %c0_i32_0 = arith.constant 0 : i32
    return %c0_i32, %arg0 : i32, i32
  }
  func.func @transform_4(%arg0: i32) -> (i32, i32) {
    %c0_i32 = arith.constant 0 : i32
    %c0_i32_0 = arith.constant 0 : i32
    %c0_i32_1 = arith.constant 0 : i32
    return %c0_i32, %c0_i32_0 : i32, i32
  }
  func.func @transform_5(%arg0: i32) -> (i32, i32) {
    %c0_i32 = arith.constant 0 : i32
    %c0_i32_0 = arith.constant 0 : i32
    %c0_i32_1 = arith.constant 0 : i32
    return %c0_i32, %c0_i32_0 : i32, i32
  }
  func.func @transform_6(%arg0: i32) -> (i32, i32) {
    %c0_i32 = arith.constant 0 : i32
    %c0_i32_0 = arith.constant 0 : i32
    %c0_i32_1 = arith.constant 0 : i32
    return %c0_i32, %c0_i32_0 : i32, i32
  }
}

</mosaic_0001>

<sc_bundles>
// kernel: kernel.4.cloned.1.call-start
scs
__scs_entry_jumppad:
0x0: {  	(pc) =	sbr.rel $0x88, $3  }
0x1: {  	(tag) =	ssettag $0x0;
	lr =	simm.s32 $0x1  }
0x2: {  	[smem:$0x3F9E] =	sst lr;
	_ =	strace $0xD0000000  }
0x3: {  	_ = 	snop  }
0x4: {  	_ = 	snop  }
0x5: {  	_ = 	snop  }
0x6: {  	_ = 	snop  }
0x7: {  	_ = 	snop  }
__scs_overlays_trampoline_lowered:
0x8: {  	[smem:$0x3FAD] =	sst s0  }
0x9: {  	[smem:$0x3FAE] =	sst s1  }
0xa: {  	[smem:$0x3FAF] =	sst s2  }
0xb: {  	[smem:$0x3FB0] =	sst s3  }
0xc: {  	[smem:$0x3FB1] =	sst s4  }
0xd: {  	[smem:$0x3FB2] =	sst s5  }
0xe: {  	[smem:$0x3FB3] =	sst s6  }
0xf: {  	[smem:$0x3FB4] =	sst s7  }
0x10: {  	[smem:$0x3FB5] =	sst s8  }
0x11: {  	[smem:$0x3FB6] =	sst s9;
	s0 =	simm.s32 @!p0 $0x0  }
0x12: {  	s1 =	sld [smem:$0x3F9C];
	s0 =	simm.s32 @p0 $0x1  }
0x13: {  	[smem:$0x3FB7] =	sst s0;
	s0 =	simm.s32 @!p1 $0x0  }
0x14: {  	s2 =	sld [smem:$0x3F9B];
	s0 =	simm.s32 @p1 $0x1  }
0x15: {  	[smem:$0x3FB8] =	sst s0;
	s0 =	simm.s32 @!p2 $0x0  }
0x16: {  	s3 =	sld [smem:$0x3FDB];
	s0 =	simm.s32 @p2 $0x1  }
0x17: {  	s4 =	simm.s32 $0x1BF5;
	[smem:$0x3FBA] =	sst s0  }
0x18: {  	s0 =	sld [smem:$0x3F9D];
	_ =	swait.ge [sflag:s4], $0x0  }
0x19: {  	s7 =	sld [smem:$0x3F9E]  }
0x1a: {  	s8 =	sadd.s32 $0xFFFFE003, lr  }
0x1b: {  	s9 =	sadd.s32 $0xFFFFFEF7, lr;
	s5 =	simm.s32 $0xFFFFFFFF;
	p2 =	slt.u32 s8, $0xFFFFF086  }
0x1c: {  	p1 =	slt.u32 s9, $0xF7A;
	s5 =	simm.s32 @!p2 $0x0  }
0x1d: {  	s5 =	simm.s32 @p1 $0x1;
	p0 =	seq.s32 s7, s2  }
0x1e: {  	s7 =	smul.u32 @!p0 $0xF7A, s2;
	p2 =	seq.s32 @!p0 s5, $0x0  }
0x1f: {  	s9 =	smul.u32 $0xF7A, s1;
	s8 =	simm.s32 @!p0 $0x1BF5;
	p2 =	por !p2, p0  }
0x20: {  	[sflag:s8] =	ssyncset.s32 @!p0 $0xFFFFF086;
	s6 =	sadd.s32 @!p0 s3, s7;
	s7 =	simm.s32 @!p0 $0x108  }
0x21: {  	s3 =	sadd.s32 s3, s9;
	s6 =	sadd.s32 @!p0 $0x88, s6;
	s7 =	simm.s32 @p2 $0x1082  }
0x22: {  	[simem:s7], [sflag:s8] =	dma.local @!p0 [hbm:s6], $0xF7A  }
0x23: {  	s9 =	sor.u32 $0xD0000000, s2;
	s6 =	simm.s32 $0x108;
	_ =	swait.ge @!p0 [sflag:s8], $0x0  }
0x24: {  	s3 =	sadd.s32 $0x88, s3;
	s6 =	simm.s32 @!p1 $0x1082;
	[sflag:s4] =	ssyncset.s32 $0xFFFFF086  }
0x25: {  	[simem:s6], [sflag:s4] =	dma.local [hbm:s3], $0xF7A  }
0x26: {  	[smem:$0x3F9E] =	sst s1;
	(tag) =	ssettag s2;
	_ =	strace s9  }
0x27: {  	s1 =	sld [smem:$0x3FAE]  }
0x28: {  	s2 =	sld [smem:$0x3FAF]  }
0x29: {  	s4 =	sld [smem:$0x3FB1]  }
0x2a: {  	p0 =	seq.s32 s5, $0x0;
	s5 =	sld [smem:$0x3FB2]  }
0x2b: {  	s6 =	sld [smem:$0x3FB3]  }
0x2c: {  	s7 =	sld [smem:$0x3FB4]  }
0x2d: {  	s3 =	simm.s32 $0x108;
	s8 =	sld [smem:$0x3FB5]  }
0x2e: {  	s3 =	simm.s32 @!p0 $0x1082;
	s9 =	sld [smem:$0x3FB6]  }
0x2f: {  	lr =	sadd.s32 s0, s3;
	s0 =	sld [smem:$0x3FAD]  }
0x30: {  	s3 =	sld [smem:$0x3FB0]  }
0x31: {  	[smem:$0x3FB9] =	sst s10  }
0x32: {  	s10 =	sld [smem:$0x3FB7];
	_ =	sdelay $0x3  }
0x33: {  	p0 =	seq.s32 s10, $0x1;
	s10 =	sld [smem:$0x3FB9];
	_ =	sdelay $0x3  }
0x34: {  	[smem:$0x3FB9] =	sst s10  }
0x35: {  	s10 =	sld [smem:$0x3FB8];
	_ =	sdelay $0x3  }
0x36: {  	p1 =	seq.s32 s10, $0x1;
	s10 =	sld [smem:$0x3FB9];
	_ =	sdelay $0x3  }
0x37: {  	[smem:$0x3FB9] =	sst s10  }
0x38: {  	s10 =	sld [smem:$0x3FBA]  }
0x39: {  	_ = 	snop;
	(pc) =	sbr.ind lr, $3  }
0x3a: {  	_ = 	snop  }
0x3b: {  	_ = 	snop  }
0x3c: {  	p2 =	seq.s32 s10, $0x1;
	s10 =	sld [smem:$0x3FB9]  }
0x3d: {  	_ =	shalt  }
0x3e: {  	_ =	shalt  }
0x3f: {  	_ =	shalt  }
0x40: {  	_ =	shalt  }
0x41: {  	_ =	shalt  }
0x42: {  	_ =	shalt  }
0x43: {  	_ =	shalt  }
0x44: {  	_ =	shalt  }
0x45: {  	_ =	shalt  }
0x46: {  	_ =	shalt  }
0x47: {  	_ =	shalt  }
0x48: {  	_ =	shalt  }
0x49: {  	_ =	shalt  }
0x4a: {  	_ =	shalt  }
0x4b: {  	_ =	shalt  }
0x4c: {  	_ =	shalt  }
0x4d: {  	_ =	shalt  }
0x4e: {  	_ =	shalt  }
0x4f: {  	_ =	shalt  }
0x50: {  	_ =	shalt  }
0x51: {  	_ =	shalt  }
0x52: {  	_ =	shalt  }
0x53: {  	_ =	shalt  }
0x54: {  	_ =	shalt  }
0x55: {  	_ =	shalt  }
0x56: {  	_ =	shalt  }
0x57: {  	_ =	shalt  }
0x58: {  	_ =	shalt  }
0x59: {  	_ =	shalt  }
0x5a: {  	_ =	shalt  }
0x5b: {  	_ =	shalt  }
0x5c: {  	_ =	shalt  }
0x5d: {  	_ =	shalt  }
0x5e: {  	_ =	shalt  }
0x5f: {  	_ =	shalt  }
0x60: {  	_ =	shalt  }
0x61: {  	_ =	shalt  }
0x62: {  	_ =	shalt  }
0x63: {  	_ =	shalt  }
0x64: {  	_ =	shalt  }
0x65: {  	_ =	shalt  }
0x66: {  	_ =	shalt  }
0x67: {  	_ =	shalt  }
0x68: {  	_ =	shalt  }
0x69: {  	_ =	shalt  }
0x6a: {  	_ =	shalt  }
0x6b: {  	_ =	shalt  }
0x6c: {  	_ =	shalt  }
0x6d: {  	_ =	shalt  }
0x6e: {  	_ =	shalt  }
0x6f: {  	_ =	shalt  }
0x70: {  	_ =	shalt  }
0x71: {  	_ =	shalt  }
0x72: {  	_ =	shalt  }
0x73: {  	_ =	shalt  }
0x74: {  	_ =	shalt  }
0x75: {  	_ =	shalt  }
0x76: {  	_ =	shalt  }
0x77: {  	_ =	shalt  }
0x78: {  	_ =	shalt  }
0x79: {  	_ =	shalt  }
0x7a: {  	_ =	shalt  }
0x7b: {  	_ =	shalt  }
0x7c: {  	_ =	shalt  }
0x7d: {  	_ =	shalt  }
0x7e: {  	_ =	shalt  }
0x7f: {  	_ =	shalt  }
0x80: {  	_ =	shalt  }
0x81: {  	_ =	shalt  }
0x82: {  	_ =	shalt  }
0x83: {  	_ =	shalt  }
0x84: {  	_ =	shalt  }
0x85: {  	_ =	shalt  }
0x86: {  	_ =	shalt  }
0x87: {  	_ =	shalt  }
.Lfunc_end0:
.L_simem_size_0:
called_computation_lowered:
.L_overlay_start_0:
0x88: {  	s2 =	sld [smem:$0x3FD9]  }
0x89: {  	s3 =	sld [smem:$0x3FFE];
	_ =	sdelay $0x1  }
0x8a: {  	s1 =	srdreg.scid  }
0x8b: {  	s0 =	sand.u32 $0x1, s1  }
0x8c: {  	s17 =	sshll.u32 s0, $0xA;
	s2 =	sadd.s32 s3, s2  }
0x8d: {  	s2 =	sadd.s32 s2, s17  }
0x8e: {  	[smem:$0x3FC5] =	sst s2  }
0x8f: {  	_ = 	snop  }
0x90: {  	s2 =	sld [smem:$0x3FD0];
	(tm) =	ssettm $0x1  }
0x91: {  	s18 =	sld [smem:$0x3FFB];
	_ =	sdelay $0x3  }
0x92: {  	_ =	strace s18  }
0x93: {  	s3 =	sld [smem:$0x3FFC];
	_ =	sdelay $0x3  }
0x94: {  	_ =	strace s3  }
0x95: {  	s3 =	sld [smem:$0x3FFD];
	_ =	sdelay $0x3  }
0x96: {  	_ =	strace s3  }
0x97: {  	_ =	strace $0x8FFFFFFF  }
0x98: {  	s19 =	sld [smem:$0x3FDB];
	_ =	sdelay $0x1  }
0x99: {  	s4 =	simm.s32 $_scs_section_size  }
0x9a: {  	s5 =	simm.s32 $_size__tile_overlayer_lowered;
	s6 =	simm.s32 $_tile_overlayer_lowered  }
0x9b: {  	s22 =	simm.s32 $0x1BFF;
	s21 =	sshll.u32 s6, $0x1;
	s3 =	sadd.s32 s4, s19  }
0x9c: {  	s7 =	simm.s32 $0x0;
	s20 =	sshll.u32 s5, $0x1;
	s5 =	sadd.s32 s21, s3  }
0x9d: {  	[timem:s7], [sflag:s22] =	dma.local [hbm:s5], s20  }
0x9e: {  	_ =	swait.ge [sflag:s22], s20  }
0x9f: {  	s4 =	ssub.s32 $0x0, s20;
	[sflag:s22] =	ssyncset.done $0x0  }
0xa0: {  	[sflag:s22] =	ssyncadd.s32 s4;
	_ =	sdelay $0x1  }
0xa1: {  	s23 =	simm.s32 $0x1B8B  }
0xa2: {  	_ =	swait.ge [sflag:s23], $0x1  }
0xa3: {  	[sflag:s23] =	ssyncset.done $0x0  }
0xa4: {  	s25 =	simm.s32 $0x1B8E;
	s24 =	sld [smem:$0x3FFE];
	[sflag:s23] =	ssyncadd.s32 $0xFFFFFFFF  }
0xa5: {  	s26 =	simm.s32 $execute0_lowered;
	[smem:$0x3FD2] =	sst s25  }
0xa6: {  	s5 =	sshll.u32 s26, $0x1;
	_ =	strace $0x80000046;
	[dreg:$0x1] =	wrdreg $0xFFFFFFFF  }
0xa7: {  	s28 =	simm.s32 $_size_execute0_lowered;
	s3 =	sadd.s32 s3, s5;
	[dreg:$0x0] =	wrdreg $0x0  }
0xa8: {  	s5 =	sshll.u32 s28, $0x1;
	[dreg:$0x2] =	wrdreg s3  }
0xa9: {  	[dreg:$0x3] =	wrdreg s5  }
0xaa: {  	[dreg:$0x4] =	wrdreg $0xC0  }
0xab: {  	_ =	task [dreg:s7], $0x5FFFF  }
0xac: {  	[dreg:$0x1] =	wrdreg $0xFFFFFFFF  }
0xad: {  	[dreg:$0x0] =	wrdreg $0x60  }
0xae: {  	[dreg:$0x2] =	wrdreg s24  }
0xaf: {  	[dreg:$0x3] =	wrdreg s2  }
0xb0: {  	[dreg:$0x4] =	wrdreg $0x9  }
0xb1: {  	_ =	task.clear_ibuf [dreg:s7], $0x5FFFF;
	_ =	strace $0x90000046  }
0xb2: {  	s29 =	simm.s32 $0x9;
	_ =	strace $0x80000048  }
0xb3: {  	_ =	swait.ge [sflag:s29], $0x1  }
0xb4: {  	[sflag:s29] =	ssyncadd.s32 $0xFFFFFFFF  }
0xb5: {  	_ =	strace $0x90000048  }
0xb6: {  	_ =	sfence  }
0xb7: {  	s30 =	sld [smem:$0x0];
	_ =	sdelay $0x2  }
0xb8: {  	s31 =	sshll.u32 s1, $0xD;
	s1 =	sshrl.u32 s1, $0x2  }
0xb9: {  	s3 =	sand.u32 $0x4000, s31;
	s1 =	sadd.s32 s1, s30  }
0xba: {  	s0 =	sor.u32 s3, s0;
	s1 =	sshll.u32 s1, $0x11  }
0xbb: {  	s0 =	sor.u32 s1, s0  }
0xbc: {  	s0 =	sadd.s32 $0x8F2B, s0  }
0xbd: {  	[sflag:s0] =	ssyncadd.remote.s32 $0x1  }
0xbe: {  	_ =	sfence.sel $0xFFFF  }
0xbf: {  	[dreg:$0x0] =	wrdreg $0xFFFFFFFF;
	(pc) =	sbr.abs _section_cstart, $3  }
0xc0: {  	[dreg:$0x1] =	wrdreg $0xFFFFFFFF  }
0xc1: {  	_ =	task.clear_ibuf [dreg:s7], $0x2FFFF;
	_ =	strace $0x9FFFFFFF  }
0xc2: {  	(tm) =	ssettm $0x7FFFFFFF  }
0xc3: {  	_ =	shalt  }
tec
execute0_lowered:
.L_overlay_start_1:
0x0: {  	(tag) =	ssettag $0x1  }
0x1: {  	s0 =	srdreg.scid  }
0x2: {  	s13 =	sand.u32 $0x1, s0;
	s0 =	stileid.u32  }
0x3: {  	s3 =	sor.u32 s0, s13  }
0x4: {  	p0 =	sne.s32 s3, $0x0  }
.Ltmp0:
0x5: {  	_ = 	snop;
	(pc) =	sbr.rel @p0 .LBB2_4-.Ltmp0, $4  }
0x6: {  	_ = 	snop  }
0x7: {  	s8 =	rddreg [dreg:$0x0]  }
0x8: {  	s2 =	rddreg [dreg:$0x1]  }
0x9: {  	s1 =	rddreg [dreg:$0x2];
	_ =	strace $0x80000047  }
0xa: {  	s5 =	sadd.s32 $0x3D1400, s8;
	s4 =	simm.s32 $0x0;
	s3 =	simm.s32 $0x1  }
0xb: {  	[tilespmem:s4], [sflag:$0x1] =	stream.linear.gather [hbm4b:s5+s4], $0x80, $0x38;
	[tilespmem:$0x280] =	vst v63  }
0xc: {  	_ =	swait.ge [sflag:s3], $0x80  }
0xd: {  	[sflag:s3] =	ssyncset.done $0x0  }
0xe: {  	s6 =	sadd.s32 $0x3D1200, s8;
	s7 =	simm.s32 $0x80;
	[sflag:s3] =	ssyncadd.s32 $0xFFFFFF80  }
0xf: {  	[tilespmem:s7], [sflag:$0x1] =	stream.linear.gather [hbm4b:s6+s4], $0x80, $0x38;
	[tilespmem:$0x280] =	vst v63  }
0x10: {  	_ =	swait.ge [sflag:s3], $0x80  }
0x11: {  	[sflag:s3] =	ssyncset.done $0x0  }
0x12: {  	[sflag:s3] =	ssyncadd.s32 $0xFFFFFF80  }
0x13: {  	v1 =	vld [tilespmem:$0x80];
	_ =	sdelay $0x4  }
0x14: {  	v2 =	vadd.s32 $0xF42400, v1  }
0x15: {  	(v2sf) =	vpush v2, $0x2;
	_ =	sdelay $0x7  }
0x16: {  	v0 =	vlaneseq.u32  }
0x17: {  	v0 =	vmul.u32 $0xF4240, v0;
	v3 =	vbroadcast v1, $0x0  }
0x18: {  	v5 =	vbroadcast v1, $0x2;
	v1 =	vbroadcast v1, $0x1  }
0x19: {  	v4 =	vbroadcast v2, $0x0;
	v3 =	vadd.s32 v0, v3  }
0x1a: {  	v2 =	vbroadcast v2, $0x1;
	v1 =	vadd.s32 v0, v1;
	[tilespmem:$0x100] =	vst v3  }
0x1b: {  	v3 =	vadd.s32 v0, v4;
	[tilespmem:$0x120] =	vst v1  }
0x1c: {  	v2 =	vadd.s32 v0, v2;
	[tilespmem:$0x110] =	vst v3  }
0x1d: {  	v3 =	vadd.s32 v0, v5;
	[tilespmem:$0x130] =	vst v2;
	s10 =	spop (v2sf)  }
0x1e: {  	s8 =	sadd.s32 $0x600, s8;
	s9 =	simm.s32 $0x60;
	[tilespmem:$0x140] =	vst v3;
	v1 =	vadd.s32 s10, v0  }
0x1f: {  	s11 =	simm.s32 $0x180;
	s12 =	simm.s32 $0x2;
	s10 =	simm.s32 $0x100;
	[tilespmem:$0x150] =	vst v1  }
0x20: {  	[tilespmem:s11], [sflag:$0x2] =	stream.indirect.gather [hbm4b:s8+s9], $0x1, s10, s9, $0xb8;
	[tilespmem:$0x280] =	vst v63  }
0x21: {  	_ =	swait.ge [sflag:s12], $0x60  }
0x22: {  	[sflag:s12] =	ssyncset.done $0x0  }
0x23: {  	[sflag:s12] =	ssyncadd.s32 $0xFFFFFFA0  }
0x24: {  	v1 =	vld [tilespmem:$0x1B0]  }
0x25: {  	v2 =	vld [tilespmem:$0x1A0]  }
0x26: {  	v3 =	vld [tilespmem:$0x180]  }
0x27: {  	v5 =	vld [tilespmem:$0x190];
	_ =	sdelay $0x1  }
0x28: {  	v4 =	vld [tilespmem:$0x0]  }
0x29: {  	v8 =	vld [tilespmem:$0x1D0]  }
0x2a: {  	v7 =	vimm.s32 $0x76543210;
	v6 =	vshrl.u32 v1, $0x10;
	v9 =	vshrl.u32 v3, $0x10  }
0x2b: {  	v10 =	vshrl.u32 v2, $0x10;
	v11 =	vshrl.u32 v5, $0x10;
	v6 =	vand.u32 $0x1, v6  }
0x2c: {  	v10 =	vand.u32 $0x1, v10;
	v9 =	vand.u32 $0x1, v9;
	v1 =	vadd.s32 v6, v1  }
0x2d: {  	v6 =	vshrl.u32 v4, $0x10;
	v2 =	vadd.s32 v10, v2;
	v3 =	vadd.s32 v9, v3  }
0x2e: {  	v12 =	vld [tilespmem:$0x1C0];
	v9 =	vshrl.u32 v8, $0x10;
	v1 =	vadd.s32 $0x7FFF, v1;
	v6 =	vand.u32 $0x1, v6  }
0x2f: {  	v2 =	vadd.s32 $0x7FFF, v2;
	v9 =	vand.u32 $0x1, v9;
	v4 =	vadd.s32 v6, v4  }
0x30: {  	v3 =	vadd.s32 $0x7FFF, v3;
	v6 =	vand.u32 $0x1, v11;
	v4 =	vadd.s32 $0x7FFF, v4  }
0x31: {  	v2 =	vand.u32 $0xFFFF0000, v2;
	v5 =	vadd.s32 v6, v5;
	v4 =	vand.u32 $0xFFFF0000, v4  }
0x32: {  	v8 =	vadd.s32 v9, v8;
	v5 =	vadd.s32 $0x7FFF, v5;
	v6 =	vbroadcast v4, $0x0  }
0x33: {  	v9 =	vshrl.u32 v12, $0x10;
	v1 =	vand.u32 $0xFFFF0000, v1;
	v5 =	vand.u32 $0xFFFF0000, v5  }
0x34: {  	v3 =	vand.u32 $0xFFFF0000, v3;
	v9 =	vand.u32 $0x1, v9;
	v5 =	vmul.f32 v5, v6  }
0x35: {  	v8 =	vadd.s32 $0x7FFF, v8;
	v3 =	vmul.f32 v3, v6;
	v6 =	vbroadcast v4, $0x1  }
0x36: {  	v9 =	vadd.s32 v9, v12;
	v8 =	vand.u32 $0xFFFF0000, v8;
	v4 =	vbroadcast v4, $0x2  }
0x37: {  	v9 =	vadd.s32 $0x7FFF, v9;
	v2 =	vmul.f32 v2, v6;
	v1 =	vmul.f32 v1, v6  }
0x38: {  	v9 =	vand.u32 $0xFFFF0000, v9;
	v6 =	vimm.s32 $0xFEDCBA98;
	v8 =	vmul.f32 v8, v4  }
0x39: {  	v2 =	vadd.f32 v2, v3;
	v3 =	vmul.f32 v9, v4;
	v1 =	vadd.f32 v1, v5  }
0x3a: {  	v4 =	vunpack.c.l.s4.s8 v7;
	v7 =	vunpack.c.l.s4.s8 v6  }
0x3b: {  	v5 =	vadd.f32 v3, v2;
	v6 =	vadd.f32 v8, v1  }
0x3c: {  	v1 =	vunpack.c.0.s8.s32 v4;
	v2 =	vunpack.c.0.s8.s32 v7;
	v3 =	vimm.s32 $0xBA98FEDC  }
0x3d: {  	v4 =	vimm.s32 $0x32107654;
	v7 =	vmul.f32 v5, v5;
	v8 =	vmul.f32 v6, v6  }
0x3e: {  	v3 =	vunpack.c.l.s4.s8 v3;
	v4 =	vunpack.c.l.s4.s8 v4;
	v2 =	vand.u32 $0xF, v2  }
0x3f: {  	v1 =	vcombine.low v2, v1;
	v7 =	vadd.f32 v8, v7  }
0x40: {  	v2 =	vunpack.c.0.s8.s32 v3;
	v3 =	vunpack.c.0.s8.s32 v4  }
0x41: {  	v4 =	vimm.s32 $0xDCFE98BA;
	v8 =	vimm.s32 $0x54761032;
	v9 =	vperm.xlane v7, v1  }
0x42: {  	v4 =	vunpack.c.l.s4.s8 v4;
	v8 =	vunpack.c.l.s4.s8 v8  }
0x43: {  	v2 =	vcombine.low v3, v2;
	v7 =	vadd.f32 v7, v9  }
0x44: {  	v3 =	vunpack.c.0.s8.s32 v4;
	v4 =	vunpack.c.0.s8.s32 v8  }
0x45: {  	v8 =	vperm.xlane v7, v2  }
0x46: {  	v9 =	vimm.s32 $0x67452301;
	v3 =	vcombine.low v4, v3;
	v4 =	vimm.s32 $0xEFCDAB89  }
0x47: {  	v9 =	vunpack.c.l.s4.s8 v9;
	v4 =	vunpack.c.l.s4.s8 v4;
	v7 =	vadd.f32 v7, v8;
	_ =	sdelay $0x1  }
0x48: {  	v4 =	vunpack.c.0.s8.s32 v4;
	v8 =	vunpack.c.0.s8.s32 v9;
	v9 =	vperm.xlane v7, v3;
	_ =	sdelay $0x1  }
0x49: {  	v4 =	vcombine.low v8, v4;
	v7 =	vadd.f32 v7, v9;
	_ =	sdelay $0x1  }
0x4a: {  	v8 =	vperm.xlane v7, v4;
	_ =	sdelay $0x1  }
0x4b: {  	v7 =	vadd.f32 v7, v8;
	_ =	sdelay $0x1  }
0x4c: {  	v7 =	vmax.f32 v7, $1.000000020e-24  }
0x4d: {  	v8 =	vshra.s32 v7, $0x1;
	v9 =	vmul.f32 $5.000000000e-01, v7  }
0x4e: {  	v7 =	vsub.s32 $0x5F3759DF, v8  }
0x4f: {  	v8 =	vmul.f32 v7, v9;
	_ =	sdelay $0x1  }
0x50: {  	v8 =	vmul.f32 v7, v8;
	_ =	sdelay $0x1  }
0x51: {  	v8 =	vsub.f32 $1.500000000e+00, v8;
	_ =	sdelay $0x1  }
0x52: {  	v7 =	vmul.f32 v7, v8;
	_ =	sdelay $0x1  }
0x53: {  	v8 =	vmul.f32 v7, v9;
	_ =	sdelay $0x1  }
0x54: {  	v8 =	vmul.f32 v8, v7;
	_ =	sdelay $0x1  }
0x55: {  	v8 =	vsub.f32 $1.500000000e+00, v8;
	_ =	sdelay $0x1  }
0x56: {  	v7 =	vmul.f32 v8, v7;
	_ =	sdelay $0x1  }
0x57: {  	s13 =	ssub.s32 $0x2, s13;
	v8 =	vmul.f32 v7, v9  }
0x58: {  	s14 =	sshrl.u32 s13, $0x1  }
0x59: {  	s14 =	ssub.s32 s13, s14;
	v8 =	vmul.f32 v8, v7  }
0x5a: {  	p0 =	sne.s32 s14, $0x1  }
.Ltmp1:
0x5b: {  	v8 =	vsub.f32 $1.500000000e+00, v8;
	(pc) =	sbr.rel @!p0 .LBB2_3-.Ltmp1, $3  }
0x5c: {  	_ = 	snop  }
0x5d: {  	v7 =	vmul.f32 v8, v7;
	_ =	sdelay $0x1  }
0x5e: {  	s13 =	simm.s32 $0x200;
	s14 =	sadd.s32 $0xFFFFFFFF, s14;
	[tilespmem:$0x200] =	vst v5;
	v8 =	vmul.f32 v7, v9  }
.LBB2_2:
0x5f: {  	p0 =	sne.s32 s14, $0x1;
	s14 =	sadd.s32 $0xFFFFFFFF, s14  }
0x60: {  	v8 =	vmul.f32 v8, v7;
	_ =	sdelay $0x1  }
0x61: {  	v8 =	vsub.f32 $1.500000000e+00, v8;
	_ =	sdelay $0x1  }
0x62: {  	v7 =	vmul.f32 v8, v7;
	_ =	sdelay $0x1  }
0x63: {  	v5 =	vmul.f32 v7, v5;
	v6 =	vmul.f32 v7, v6;
	_ =	sdelay $0x1  }
0x64: {  	[tilespmem:$0x200] =	vst v5  }
0x65: {  	[tilespmem:$0x210] =	vst v6  }
0x66: {  	[hbm4b:s2+s4] =	stream.linear.scatter [tilespmem:s13], [sflag:$0x1], $0x80, $0x38;
	[tilespmem:$0x280] =	vst v63  }
0x67: {  	_ =	swait.ge [sflag:s3], $0x80  }
0x68: {  	[sflag:s3] =	ssyncset.done $0x0  }
0x69: {  	[sflag:s3] =	ssyncadd.s32 $0xFFFFFF80  }
0x6a: {  	[tilespmem:s4], [sflag:$0x1] =	stream.linear.gather [hbm4b:s5+s4], $0x80, $0x38;
	[tilespmem:$0x280] =	vst v63  }
0x6b: {  	_ =	swait.ge [sflag:s3], $0x80  }
0x6c: {  	[sflag:s3] =	ssyncset.done $0x0  }
0x6d: {  	[sflag:s3] =	ssyncadd.s32 $0xFFFFFF80  }
0x6e: {  	[tilespmem:s7], [sflag:$0x1] =	stream.linear.gather [hbm4b:s6+s4], $0x80, $0x38;
	[tilespmem:$0x280] =	vst v63  }
0x6f: {  	_ =	swait.ge [sflag:s3], $0x80  }
0x70: {  	[sflag:s3] =	ssyncset.done $0x0  }
0x71: {  	[sflag:s3] =	ssyncadd.s32 $0xFFFFFF80  }
0x72: {  	v5 =	vld [tilespmem:$0x80];
	_ =	sdelay $0x4  }
0x73: {  	v6 =	vbroadcast v5, $0x0;
	v7 =	vadd.s32 $0xF42400, v5;
	v8 =	vbroadcast v5, $0x1  }
0x74: {  	v9 =	vbroadcast v7, $0x0;
	v10 =	vbroadcast v7, $0x1;
	(v2sf) =	vpush v7, $0x2  }
0x75: {  	v5 =	vbroadcast v5, $0x2;
	v6 =	vadd.s32 v0, v6;
	v7 =	vadd.s32 v0, v8  }
0x76: {  	[tilespmem:$0x100] =	vst v6;
	v6 =	vadd.s32 v0, v9;
	v8 =	vadd.s32 v0, v10  }
0x77: {  	v5 =	vadd.s32 v0, v5;
	[tilespmem:$0x110] =	vst v6  }
0x78: {  	[tilespmem:$0x130] =	vst v8  }
0x79: {  	[tilespmem:$0x140] =	vst v5  }
0x7a: {  	[tilespmem:$0x120] =	vst v7;
	_ =	sdelay $0x8  }
0x7b: {  	s15 =	spop (v2sf)  }
0x7c: {  	v5 =	vadd.s32 s15, v0  }
0x7d: {  	[tilespmem:$0x150] =	vst v5  }
0x7e: {  	[tilespmem:s11], [sflag:$0x2] =	stream.indirect.gather [hbm4b:s8+s9], $0x1, s10, s9, $0xb8;
	[tilespmem:$0x280] =	vst v63  }
0x7f: {  	_ =	swait.ge [sflag:s12], $0x60  }
0x80: {  	[sflag:s12] =	ssyncset.done $0x0  }
0x81: {  	[sflag:s12] =	ssyncadd.s32 $0xFFFFFFA0  }
0x82: {  	v5 =	vld [tilespmem:$0x1B0]  }
0x83: {  	v6 =	vld [tilespmem:$0x1A0]  }
0x84: {  	v7 =	vld [tilespmem:$0x180]  }
0x85: {  	v8 =	vld [tilespmem:$0x0]  }
0x86: {  	v9 =	vld [tilespmem:$0x190]  }
0x87: {  	v10 =	vld [tilespmem:$0x1C0];
	v11 =	vshrl.u32 v5, $0x10  }
0x88: {  	v11 =	vand.u32 $0x1, v11;
	v12 =	vld [tilespmem:$0x1D0]  }
0x89: {  	v14 =	vshrl.u32 v6, $0x10;
	v13 =	vshrl.u32 v7, $0x10;
	v5 =	vadd.s32 v11, v5  }
0x8a: {  	v14 =	vand.u32 $0x1, v14;
	v11 =	vshrl.u32 v8, $0x10;
	v5 =	vadd.s32 $0x7FFF, v5  }
0x8b: {  	v13 =	vand.u32 $0x1, v13;
	v11 =	vand.u32 $0x1, v11;
	v15 =	vshrl.u32 v9, $0x10  }
0x8c: {  	v6 =	vadd.s32 v14, v6;
	v8 =	vadd.s32 v11, v8;
	v11 =	vand.u32 $0x1, v15  }
0x8d: {  	v7 =	vadd.s32 v13, v7;
	v8 =	vadd.s32 $0x7FFF, v8;
	v13 =	vshrl.u32 v12, $0x10  }
0x8e: {  	v6 =	vadd.s32 $0x7FFF, v6;
	v9 =	vadd.s32 v11, v9;
	v8 =	vand.u32 $0xFFFF0000, v8  }
0x8f: {  	v9 =	vadd.s32 $0x7FFF, v9;
	v13 =	vand.u32 $0x1, v13;
	v11 =	vbroadcast v8, $0x0  }
0x90: {  	v6 =	vand.u32 $0xFFFF0000, v6;
	v9 =	vand.u32 $0xFFFF0000, v9;
	v12 =	vadd.s32 v13, v12  }
0x91: {  	v5 =	vand.u32 $0xFFFF0000, v5;
	v7 =	vadd.s32 $0x7FFF, v7;
	v13 =	vshrl.u32 v10, $0x10  }
0x92: {  	v7 =	vand.u32 $0xFFFF0000, v7;
	v13 =	vand.u32 $0x1, v13;
	v9 =	vmul.f32 v9, v11  }
0x93: {  	v12 =	vadd.s32 $0x7FFF, v12;
	v7 =	vmul.f32 v7, v11;
	v11 =	vbroadcast v8, $0x1  }
0x94: {  	v10 =	vadd.s32 v13, v10;
	v8 =	vbroadcast v8, $0x2;
	v12 =	vand.u32 $0xFFFF0000, v12  }
0x95: {  	v10 =	vadd.s32 $0x7FFF, v10;
	v6 =	vmul.f32 v6, v11;
	v5 =	vmul.f32 v5, v11  }
0x96: {  	v10 =	vand.u32 $0xFFFF0000, v10;
	v11 =	vmul.f32 v12, v8  }
0x97: {  	v6 =	vadd.f32 v6, v7;
	v7 =	vmul.f32 v10, v8;
	v8 =	vadd.f32 v5, v9;
	_ =	sdelay $0x1  }
0x98: {  	v5 =	vadd.f32 v7, v6;
	v6 =	vadd.f32 v11, v8;
	_ =	sdelay $0x1  }
0x99: {  	v7 =	vmul.f32 v5, v5;
	v8 =	vmul.f32 v6, v6;
	[tilespmem:$0x200] =	vst v5;
	_ =	sdelay $0x1  }
0x9a: {  	v7 =	vadd.f32 v8, v7;
	_ =	sdelay $0x1  }
0x9b: {  	v8 =	vperm.xlane v7, v1;
	_ =	sdelay $0x1  }
0x9c: {  	v7 =	vadd.f32 v7, v8;
	_ =	sdelay $0x1  }
0x9d: {  	v8 =	vperm.xlane v7, v2;
	_ =	sdelay $0x1  }
0x9e: {  	v7 =	vadd.f32 v7, v8;
	_ =	sdelay $0x1  }
0x9f: {  	v8 =	vperm.xlane v7, v3;
	_ =	sdelay $0x1  }
0xa0: {  	v7 =	vadd.f32 v7, v8;
	_ =	sdelay $0x1  }
0xa1: {  	v8 =	vperm.xlane v7, v4;
	_ =	sdelay $0x1  }
0xa2: {  	v7 =	vadd.f32 v7, v8;
	_ =	sdelay $0x1  }
0xa3: {  	v7 =	vmax.f32 v7, $1.000000020e-24  }
0xa4: {  	v8 =	vshra.s32 v7, $0x1;
	v9 =	vmul.f32 $5.000000000e-01, v7  }
0xa5: {  	v7 =	vsub.s32 $0x5F3759DF, v8  }
0xa6: {  	v8 =	vmul.f32 v7, v9;
	_ =	sdelay $0x1  }
0xa7: {  	v8 =	vmul.f32 v7, v8;
	_ =	sdelay $0x1  }
0xa8: {  	v8 =	vsub.f32 $1.500000000e+00, v8;
	_ =	sdelay $0x1  }
0xa9: {  	v7 =	vmul.f32 v7, v8;
	_ =	sdelay $0x1  }
0xaa: {  	v8 =	vmul.f32 v7, v9;
	_ =	sdelay $0x1  }
0xab: {  	v8 =	vmul.f32 v8, v7;
	_ =	sdelay $0x1  }
0xac: {  	v8 =	vsub.f32 $1.500000000e+00, v8;
	_ =	sdelay $0x1  }
0xad: {  	v7 =	vmul.f32 v8, v7;
	_ =	sdelay $0x1  }
0xae: {  	v8 =	vmul.f32 v7, v9;
	_ =	sdelay $0x1  }
0xaf: {  	v8 =	vmul.f32 v8, v7;
	_ =	sdelay $0x1  }
.Ltmp2:
0xb0: {  	v8 =	vsub.f32 $1.500000000e+00, v8;
	(pc) =	sbr.rel @p0 .LBB2_2-.Ltmp2, $3  }
0xb1: {  	_ = 	snop  }
0xb2: {  	v7 =	vmul.f32 v8, v7;
	_ =	sdelay $0x1  }
0xb3: {  	v8 =	vmul.f32 v7, v9  }
.LBB2_3:
0xb4: {  	_ = 	snop  }
0xb5: {  	v0 =	vmul.f32 v8, v7;
	_ =	sdelay $0x1  }
0xb6: {  	v0 =	vsub.f32 $1.500000000e+00, v0;
	_ =	sdelay $0x1  }
0xb7: {  	v0 =	vmul.f32 v0, v7;
	_ =	sdelay $0x1  }
0xb8: {  	v1 =	vmul.f32 v0, v5  }
0xb9: {  	v0 =	vmul.f32 v0, v6  }
0xba: {  	[tilespmem:$0x200] =	vst v1  }
0xbb: {  	[tilespmem:$0x210] =	vst v0  }
0xbc: {  	[hbm4b:s2+s4] =	stream.linear.scatter [tilespmem:s13], [sflag:$0x1], $0x80, $0x38;
	[tilespmem:$0x280] =	vst v63  }
0xbd: {  	_ =	swait.ge [sflag:s3], $0x80  }
0xbe: {  	[sflag:s3] =	ssyncset.done $0x0  }
0xbf: {  	[sflag:s3] =	ssyncadd.s32 $0xFFFFFF80  }
.LBB2_4:
0xc0: {  	_ =	sfence.sel $0x180000  }
0xc1: {  	[bflag:$0x0] =	sbarrier.arrive $0xFFFF  }
0xc2: {  	p0 =	sne.s32 s0, $0x0;
	_ =	strace $0x90000047  }
0xc3: {  	s0 =	sadd.s32 @!p0 $0x100000, s1;
	[bflag:$0x2] =	sbarrier.arrive $0xFFFF  }
0xc4: {  	[sflag:s0] =	ssyncadd.tile.s32 @!p0 $0x1;
	_ =	shalt  }
.Lfunc_end2:
_tile_overlayer_lowered:
.L_overlay_start_2:
0xc5: {  	(tag) =	ssettag $0x2  }
0xc6: {  	s0 =	rddreg [dreg:$0x0];
	s2 =	stileid.u32  }
0xc7: {  	s1 =	rddreg [dreg:$0x1];
	p0 =	sne.s32 s2, $0x0  }
0xc8: {  	s3 =	rddreg [dreg:$0x2];
	[bflag:$0x3] =	sbarrier.arrive $0xFFFF;
	s2 =	simm.s32 @!p0 $0x1C03  }
0xc9: {  	[timem:s3], [sflag:s2] =	dma.local @!p0 [hbm:s0], s1  }
0xca: {  	s0 =	simm.s32 @!p0 $0x3  }
0xcb: {  	_ =	swait.ge @!p0 [sflag:s0], s1  }
0xcc: {  	s1 =	ssub.s32 @!p0 $0x0, s1;
	[sflag:s0] =	ssyncset.done @!p0 $0x0  }
0xcd: {  	[sflag:s0] =	ssyncadd.s32 @!p0 s1  }
0xce: {  	[bflag:$0x3] =	sbarrier.arrive $0xFFFF  }
0xcf: {  	_ =	shalt  }

</sc_bundles>
